<compile_context>
chip_gen: v7x
topology: tpu7x:2x2x1
jax: 0.10.2.dev20260603
libtpu: 0.0.44.dev20260713+nightly
codegen_flags: <defaults>
</compile_context>

<pallas_src>
import functools

import jax
import jax.numpy as jnp
from jax import lax
from jax.experimental import pallas as pl
from jax.experimental.pallas import tpu as pltpu
from jax.experimental.pallas import tpu_sc as plsc

B = 16
LX = 1024
LC = 1024
LT = 2048
D = 64
PAD = -999.0

L = 16
NC = 2
NS = 16
NW = NC * NS
ROWS = (B * LC) // NW
BLK = ROWS * D
WIN = ROWS + 528


def _sc_body(x_ref, t_ref, lenx_ref, lenc_ref, out_ref,
             block, win, lenxv, lencv, t0b, xb0, xbl, sem):
    wid = lax.axis_index("s") * NC + lax.axis_index("c")
    i = wid // 2
    jbase = (wid % 2) * (LC // 2)

    pltpu.async_copy(lenx_ref, lenxv.at[pl.ds(0, L)], sem).wait()
    pltpu.async_copy(lenc_ref, lencv.at[pl.ds(0, L)], sem).wait()
    lx = lenxv[pl.ds(i, L)][0]
    lc = lencv[pl.ds(i, L)][0]

    a = jnp.minimum((lx - 8) & -8, LT - WIN)
    wstart = pl.multiple_of(i * LT + a, 8)
    pltpu.async_copy(t_ref.at[pl.ds(wstart, WIN)], win, sem).wait()
    pltpu.async_copy(t_ref.at[pl.ds(pl.multiple_of(i * LT, 8), L)], t0b,
                     sem).wait()
    pltpu.async_copy(x_ref.at[pl.ds(pl.multiple_of(i * (LX * D), 8), L)], xb0,
                     sem).wait()
    pltpu.async_copy(
        x_ref.at[pl.ds(pl.multiple_of(i * (LX * D) + (lx - 1) * D, 8), L)],
        xbl, sem).wait()

    r = lx - a
    t0 = jnp.broadcast_to(t0b[...][0], (L,))
    beta = jnp.broadcast_to(xb0[...][0], (L,))
    x_last = jnp.broadcast_to(xbl[...][0], (L,))
    t_last = jnp.broadcast_to(win[pl.ds(r - 1, L)][0], (L,))
    slope = (x_last - beta) / (t_last - t0)

    fill = jnp.full((L,), PAD, jnp.float32)

    def _fill_body(m, carry):
        base = m * (16 * L)
        for t in range(16):
            block[pl.ds(base + t * L, L)] = fill
        return carry

    lax.fori_loop(0, BLK // (16 * L), _fill_body, 0)

    lane = lax.broadcasted_iota(jnp.int32, (L,), 0)
    for k in range(ROWS // L):
        fut = win[pl.ds(r + jbase + k * L, L)]
        pred = slope * (fut - t0) + beta
        jv = jbase + k * L + lane
        val = jnp.where(jv < lc, pred, PAD)
        plsc.store_scatter(block, [(k * L + lane) * D], val)

    pltpu.async_copy(block, out_ref.at[pl.ds(wid * BLK, BLK)], sem).wait()


@functools.partial(jax.jit, static_argnames=("interpret",))
def _run(x, time, len_x, len_context, interpret=False):
    fn = pl.kernel(
        _sc_body,
        out_type=jax.ShapeDtypeStruct((B * LC * D,), jnp.float32),
        mesh=plsc.VectorSubcoreMesh(core_axis_name="c", subcore_axis_name="s"),
        compiler_params=pltpu.CompilerParams(needs_layout_passes=False),
        scratch_types=[
            pltpu.VMEM((BLK,), jnp.float32),
            pltpu.VMEM((WIN,), jnp.float32),
            pltpu.VMEM((2 * L,), jnp.int32),
            pltpu.VMEM((2 * L,), jnp.int32),
            pltpu.VMEM((L,), jnp.float32),
            pltpu.VMEM((L,), jnp.float32),
            pltpu.VMEM((L,), jnp.float32),
            pltpu.SemaphoreType.DMA,
        ],
        interpret=interpret,
    )
    out = fn(x.reshape(B * LX * D), time.reshape(B * LT),
             len_x.astype(jnp.int32), len_context.astype(jnp.int32))
    return out.reshape(B, LC, D)


def kernel(x, time, context, len_x, len_context):
    return _run(x, time, len_x, len_context)

# --- scband reference (transcript-rebuilt; emitter-appended) ---
"""Pipeline reference for scband-baseline-88837103551117 (READ-ONLY COPY).

The authoritative reference and input builder live on the scoring server;
editing this copy changes nothing except your own understanding.
"""

import jax, jax.numpy as jnp
import numpy as np

B = 16
LX = 1024   # max observed length
LC = 1024   # max context (future) length
LT = 2048   # time horizon = LX + LC
D = 64
TARGET_COL = 0


def setup_inputs(seed: int = 0) -> dict:
    key = jax.random.key(seed)
    k1, k2, k3, k4, k5 = jax.random.split(key, 5)
    x = jax.random.normal(k1, (B, LX, D), dtype=jnp.float32)
    context = jax.random.normal(k2, (B, LC, D), dtype=jnp.float32)
    # strictly increasing timestamps per sequence
    time = jnp.cumsum(jax.random.uniform(k3, (B, LT), dtype=jnp.float32) + 0.1, axis=1)
    # ragged lengths: len_time[i] = len_x[i] + len_context[i] <= LT by construction
    len_x = jax.random.randint(k4, (B,), 512, LX + 1).astype(jnp.int32)
    len_context = jax.random.randint(k5, (B,), 256, LC + 1).astype(jnp.int32)
    return {"x": x, "time": time, "context": context, "len_x": len_x, "len_context": len_context}


def reference(x, time, context, len_x, len_context):
    """Vectorized equivalent of the torch Baseline.forward over packed/padded ragged sequences.

    Padded-tensor formulation: x[i, :len_x[i]] are observed steps, time[i, :len_x[i]+len_context[i]]
    covers observed + future timestamps; output is a padded [B, LC, D] tensor with padding_value=-999
    holding the linear extrapolation of the target column over the future window.
    """
    tc = TARGET_COL
    B_, LX_, D_ = x.shape
    LC_ = context.shape[1]
    LT_ = time.shape[1]

    # time[i, :len_time] -= time[i, 0]; only positions < len_time are ever read downstream
    tshift = time - time[:, 0:1]

    last_idx = (len_x - 1).astype(jnp.int32)[:, None]
    x_last = jnp.take_along_axis(x[:, :, tc], last_idx, axis=1)[:, 0]
    t_last = jnp.take_along_axis(tshift, last_idx, axis=1)[:, 0]
    beta = x[:, 0, tc]
    slopes = (x_last - beta) / t_last

    # future timestamps: time[i, len_x[i] : len_x[i] + len_context[i]] (shifted)
    pos = jnp.arange(LC_, dtype=jnp.int32)[None, :]
    fut_idx = jnp.clip(len_x[:, None].astype(jnp.int32) + pos, 0, LT_ - 1)
    fut_t = jnp.take_along_axis(tshift, fut_idx, axis=1)

    pred = slopes[:, None] * fut_t + beta[:, None]
    mask = pos < len_context[:, None]

    res = -999.0 * jnp.ones((B_, LC_, D_), dtype=x.dtype)
    res = res.at[:, :, tc].set(jnp.where(mask, pred, -999.0))
    return res

if __name__ == "__main__":
    import jax
    _d = setup_inputs()
    print(jax.jit(kernel)(*tuple(_d.values())))

</pallas_src>

<mosaic_0001>
#map = affine_map<(d0, d1) -> (0)>
module attributes {stable_mosaic.version = 14 : i64} {
  func.func @_sc_body(%arg0: i32, %arg1: i32, %arg2: memref<1048576xf32, #tpu.memory_space<hbm>>, %arg3: memref<32768xf32, #tpu.memory_space<hbm>>, %arg4: memref<16xi32, #tpu.memory_space<hbm>>, %arg5: memref<16xi32, #tpu.memory_space<hbm>>, %arg6: memref<1048576xf32, #tpu.memory_space<hbm>>, %arg7: memref<32768xf32, #tpu.memory_space<vmem>>, %arg8: memref<1040xf32, #tpu.memory_space<vmem>>, %arg9: memref<32xi32, #tpu.memory_space<vmem>>, %arg10: memref<32xi32, #tpu.memory_space<vmem>>, %arg11: memref<16xf32, #tpu.memory_space<vmem>>, %arg12: memref<16xf32, #tpu.memory_space<vmem>>, %arg13: memref<16xf32, #tpu.memory_space<vmem>>, %arg14: memref<!tpu.dma_semaphore, #tpu.memory_space<semaphore_mem>>) attributes {dimension_semantics = [#tpu.dimension_semantics<core_parallel>, #tpu.dimension_semantics<subcore_parallel>], iteration_bounds = array<i64: 2, 16>, scalar_prefetch = 0 : i64, scratch_operands = 8 : i64, tpu.core_type = #tpu.core_type<sc_vector_subcore>, window_params = [{transform_indices = #map}, {transform_indices = #map}, {transform_indices = #map}, {transform_indices = #map}, {transform_indices = #map}]} {
    %mul3A = arith.constant 2 : i32
    %mul3A_0 = arith.muli %arg1, %mul3A : i32
    %add3A = arith.addi %mul3A_0, %arg0 : i32
    %jit3A = arith.constant 2 : i32
    %div3A = arith.divsi %add3A, %jit3A : i32
    %sign3A = arith.constant 0 : i32
    %sign3A_1 = arith.cmpi sgt, %add3A, %sign3A : i32
    %sign3A_2 = arith.extui %sign3A_1 : i1 to i32
    %sign3A_3 = arith.constant 0 : i32
    %sign3A_4 = arith.cmpi slt, %add3A, %sign3A_3 : i32
    %sign3A_5 = arith.extui %sign3A_4 : i1 to i32
    %sign3A_6 = arith.subi %sign3A_2, %sign3A_5 : i32
    %sign3A_7 = arith.constant 0 : i32
    %sign3A_8 = arith.cmpi sgt, %jit3A, %sign3A_7 : i32
    %sign3A_9 = arith.extui %sign3A_8 : i1 to i32
    %sign3A_10 = arith.constant 0 : i32
    %sign3A_11 = arith.cmpi slt, %jit3A, %sign3A_10 : i32
    %sign3A_12 = arith.extui %sign3A_11 : i1 to i32
    %sign3A_13 = arith.subi %sign3A_9, %sign3A_12 : i32
    %ne3A = arith.cmpi ne, %sign3A_6, %sign3A_13 : i32
    %rem3A = arith.remsi %add3A, %jit3A : i32
    %ne3A_14 = arith.constant 0 : i32
    %ne3A_15 = arith.cmpi ne, %rem3A, %ne3A_14 : i32
    %and3A = arith.andi %ne3A, %ne3A_15 : i1
    %sub3A = arith.constant 1 : i32
    %sub3A_16 = arith.subi %div3A, %sub3A : i32
    %select_n3A = arith.select %and3A, %sub3A_16, %div3A : i32
    %jit3A_17 = arith.constant 2 : i32
    %eq3A = arith.constant 0 : i32
    %eq3A_18 = arith.cmpi eq, %jit3A_17, %eq3A : i32
    %jit3A_19 = arith.constant 1 : i32
    %select_n3A_20 = arith.select %eq3A_18, %jit3A_19, %jit3A_17 : i32
    %rem3A_21 = arith.remsi %add3A, %select_n3A_20 : i32
    %ne3A_22 = arith.constant 0 : i32
    %ne3A_23 = arith.cmpi ne, %rem3A_21, %ne3A_22 : i32
    %lt3A = arith.constant 0 : i32
    %lt3A_24 = arith.cmpi slt, %rem3A_21, %lt3A : i32
    %lt3A_25 = arith.constant 0 : i32
    %lt3A_26 = arith.cmpi slt, %select_n3A_20, %lt3A_25 : i32
    %ne3A_27 = arith.xori %lt3A_24, %lt3A_26 : i1
    %and3A_28 = arith.andi %ne3A_27, %ne3A_23 : i1
    %add3A_29 = arith.addi %rem3A_21, %select_n3A_20 : i32
    %select_n3A_30 = arith.select %and3A_28, %add3A_29, %rem3A_21 : i32
    %mul3A_31 = arith.constant 512 : i32
    %mul3A_32 = arith.muli %select_n3A_30, %mul3A_31 : i32
    %dma_start3A = arith.constant 0 : i32
    %dma_start3A_33 = tpu.memref_slice %arg9[%dma_start3A] : memref<32xi32, #tpu.memory_space<vmem>> -> memref<16xi32, #tpu.memory_space<vmem>>
    %dma_start3A_34 = arith.constant 0 : i32
    %dma_start3A_35 = tpu.memref_slice %arg9[%dma_start3A_34] : memref<32xi32, #tpu.memory_space<vmem>> -> memref<16xi32, #tpu.memory_space<vmem>>
    tpu.enqueue_dma source(%arg4 : memref<16xi32, #tpu.memory_space<hbm>>) target(%dma_start3A_35 : memref<16xi32, #tpu.memory_space<vmem>>) target_semaphore(%arg14 : memref<!tpu.dma_semaphore, #tpu.memory_space<semaphore_mem>>)
    %dma_wait3A = arith.constant 0 : i32
    %dma_wait3A_36 = tpu.memref_slice %arg9[%dma_wait3A] : memref<32xi32, #tpu.memory_space<vmem>> -> memref<16xi32, #tpu.memory_space<vmem>>
    %dma_wait3A_37 = arith.constant 0 : i32
    %dma_wait3A_38 = tpu.memref_slice %arg9[%dma_wait3A_37] : memref<32xi32, #tpu.memory_space<vmem>> -> memref<16xi32, #tpu.memory_space<vmem>>
    tpu.wait_dma2 semaphore(%arg14 : memref<!tpu.dma_semaphore, #tpu.memory_space<semaphore_mem>>) src(%arg4 : memref<16xi32, #tpu.memory_space<hbm>>) dst(%dma_wait3A_38 : memref<16xi32, #tpu.memory_space<vmem>>)
    %dma_start3A_39 = arith.constant 0 : i32
    %dma_start3A_40 = tpu.memref_slice %arg10[%dma_start3A_39] : memref<32xi32, #tpu.memory_space<vmem>> -> memref<16xi32, #tpu.memory_space<vmem>>
    %dma_start3A_41 = arith.constant 0 : i32
    %dma_start3A_42 = tpu.memref_slice %arg10[%dma_start3A_41] : memref<32xi32, #tpu.memory_space<vmem>> -> memref<16xi32, #tpu.memory_space<vmem>>
    tpu.enqueue_dma source(%arg5 : memref<16xi32, #tpu.memory_space<hbm>>) target(%dma_start3A_42 : memref<16xi32, #tpu.memory_space<vmem>>) target_semaphore(%arg14 : memref<!tpu.dma_semaphore, #tpu.memory_space<semaphore_mem>>)
    %dma_wait3A_43 = arith.constant 0 : i32
    %dma_wait3A_44 = tpu.memref_slice %arg10[%dma_wait3A_43] : memref<32xi32, #tpu.memory_space<vmem>> -> memref<16xi32, #tpu.memory_space<vmem>>
    %dma_wait3A_45 = arith.constant 0 : i32
    %dma_wait3A_46 = tpu.memref_slice %arg10[%dma_wait3A_45] : memref<32xi32, #tpu.memory_space<vmem>> -> memref<16xi32, #tpu.memory_space<vmem>>
    tpu.wait_dma2 semaphore(%arg14 : memref<!tpu.dma_semaphore, #tpu.memory_space<semaphore_mem>>) src(%arg5 : memref<16xi32, #tpu.memory_space<hbm>>) dst(%dma_wait3A_46 : memref<16xi32, #tpu.memory_space<vmem>>)
    %get3A = arith.index_cast %select_n3A : i32 to index
    %get3A_47 = tpu.vector_load %arg9[%get3A] {strides = array<i32>} : memref<32xi32, #tpu.memory_space<vmem>>, vector<16xi32>,
    %slice3A = vector.extract_strided_slice %get3A_47 {offsets = [0], sizes = [1], strides = [1]} : vector<16xi32> to vector<1xi32>
    %squeeze3A = vector.extract %slice3A[0] : i32 from vector<1xi32>
    %get3A_48 = arith.index_cast %select_n3A : i32 to index
    %get3A_49 = tpu.vector_load %arg10[%get3A_48] {strides = array<i32>} : memref<32xi32, #tpu.memory_space<vmem>>, vector<16xi32>,
    %slice3A_50 = vector.extract_strided_slice %get3A_49 {offsets = [0], sizes = [1], strides = [1]} : vector<16xi32> to vector<1xi32>
    %squeeze3A_51 = vector.extract %slice3A_50[0] : i32 from vector<1xi32>
    %sub3A_52 = arith.constant 8 : i32
    %sub3A_53 = arith.subi %squeeze3A, %sub3A_52 : i32
    %and3A_54 = arith.constant -8 : i32
    %and3A_55 = arith.andi %sub3A_53, %and3A_54 : i32
    %min3A = arith.constant 1008 : i32
    %min3A_56 = arith.minsi %and3A_55, %min3A : i32
    %mul3A_57 = arith.constant 2048 : i32
    %mul3A_58 = arith.muli %select_n3A, %mul3A_57 : i32
    %add3A_59 = arith.addi %mul3A_58, %min3A_56 : i32
    %multiple_of3A = tpu.assume_multiple %add3A_59, 8 : i32
    %dma_start3A_60 = tpu.memref_slice %arg3[%multiple_of3A] : memref<32768xf32, #tpu.memory_space<hbm>> -> memref<1040xf32, #tpu.memory_space<hbm>>
    %dma_start3A_61 = tpu.memref_slice %arg3[%multiple_of3A] : memref<32768xf32, #tpu.memory_space<hbm>> -> memref<1040xf32, #tpu.memory_space<hbm>>
    tpu.enqueue_dma source(%dma_start3A_61 : memref<1040xf32, #tpu.memory_space<hbm>>) target(%arg8 : memref<1040xf32, #tpu.memory_space<vmem>>) target_semaphore(%arg14 : memref<!tpu.dma_semaphore, #tpu.memory_space<semaphore_mem>>)
    %dma_wait3A_62 = tpu.memref_slice %arg3[%multiple_of3A] : memref<32768xf32, #tpu.memory_space<hbm>> -> memref<1040xf32, #tpu.memory_space<hbm>>
    %dma_wait3A_63 = tpu.memref_slice %arg3[%multiple_of3A] : memref<32768xf32, #tpu.memory_space<hbm>> -> memref<1040xf32, #tpu.memory_space<hbm>>
    tpu.wait_dma2 semaphore(%arg14 : memref<!tpu.dma_semaphore, #tpu.memory_space<semaphore_mem>>) src(%dma_wait3A_63 : memref<1040xf32, #tpu.memory_space<hbm>>) dst(%arg8 : memref<1040xf32, #tpu.memory_space<vmem>>)
    %mul3A_64 = arith.constant 2048 : i32
    %mul3A_65 = arith.muli %select_n3A, %mul3A_64 : i32
    %multiple_of3A_66 = tpu.assume_multiple %mul3A_65, 8 : i32
    %dma_start3A_67 = tpu.memref_slice %arg3[%multiple_of3A_66] : memref<32768xf32, #tpu.memory_space<hbm>> -> memref<16xf32, #tpu.memory_space<hbm>>
    %dma_start3A_68 = tpu.memref_slice %arg3[%multiple_of3A_66] : memref<32768xf32, #tpu.memory_space<hbm>> -> memref<16xf32, #tpu.memory_space<hbm>>
    tpu.enqueue_dma source(%dma_start3A_68 : memref<16xf32, #tpu.memory_space<hbm>>) target(%arg11 : memref<16xf32, #tpu.memory_space<vmem>>) target_semaphore(%arg14 : memref<!tpu.dma_semaphore, #tpu.memory_space<semaphore_mem>>)
    %dma_wait3A_69 = tpu.memref_slice %arg3[%multiple_of3A_66] : memref<32768xf32, #tpu.memory_space<hbm>> -> memref<16xf32, #tpu.memory_space<hbm>>
    %dma_wait3A_70 = tpu.memref_slice %arg3[%multiple_of3A_66] : memref<32768xf32, #tpu.memory_space<hbm>> -> memref<16xf32, #tpu.memory_space<hbm>>
    tpu.wait_dma2 semaphore(%arg14 : memref<!tpu.dma_semaphore, #tpu.memory_space<semaphore_mem>>) src(%dma_wait3A_70 : memref<16xf32, #tpu.memory_space<hbm>>) dst(%arg11 : memref<16xf32, #tpu.memory_space<vmem>>)
    %mul3A_71 = arith.constant 65536 : i32
    %mul3A_72 = arith.muli %select_n3A, %mul3A_71 : i32
    %multiple_of3A_73 = tpu.assume_multiple %mul3A_72, 8 : i32
    %dma_start3A_74 = tpu.memref_slice %arg2[%multiple_of3A_73] : memref<1048576xf32, #tpu.memory_space<hbm>> -> memref<16xf32, #tpu.memory_space<hbm>>
    %dma_start3A_75 = tpu.memref_slice %arg2[%multiple_of3A_73] : memref<1048576xf32, #tpu.memory_space<hbm>> -> memref<16xf32, #tpu.memory_space<hbm>>
    tpu.enqueue_dma source(%dma_start3A_75 : memref<16xf32, #tpu.memory_space<hbm>>) target(%arg12 : memref<16xf32, #tpu.memory_space<vmem>>) target_semaphore(%arg14 : memref<!tpu.dma_semaphore, #tpu.memory_space<semaphore_mem>>)
    %dma_wait3A_76 = tpu.memref_slice %arg2[%multiple_of3A_73] : memref<1048576xf32, #tpu.memory_space<hbm>> -> memref<16xf32, #tpu.memory_space<hbm>>
    %dma_wait3A_77 = tpu.memref_slice %arg2[%multiple_of3A_73] : memref<1048576xf32, #tpu.memory_space<hbm>> -> memref<16xf32, #tpu.memory_space<hbm>>
    tpu.wait_dma2 semaphore(%arg14 : memref<!tpu.dma_semaphore, #tpu.memory_space<semaphore_mem>>) src(%dma_wait3A_77 : memref<16xf32, #tpu.memory_space<hbm>>) dst(%arg12 : memref<16xf32, #tpu.memory_space<vmem>>)
    %mul3A_78 = arith.constant 65536 : i32
    %mul3A_79 = arith.muli %select_n3A, %mul3A_78 : i32
    %sub3A_80 = arith.constant 1 : i32
    %sub3A_81 = arith.subi %squeeze3A, %sub3A_80 : i32
    %mul3A_82 = arith.constant 64 : i32
    %mul3A_83 = arith.muli %sub3A_81, %mul3A_82 : i32
    %add3A_84 = arith.addi %mul3A_79, %mul3A_83 : i32
    %multiple_of3A_85 = tpu.assume_multiple %add3A_84, 8 : i32
    %dma_start3A_86 = tpu.memref_slice %arg2[%multiple_of3A_85] : memref<1048576xf32, #tpu.memory_space<hbm>> -> memref<16xf32, #tpu.memory_space<hbm>>
    %dma_start3A_87 = tpu.memref_slice %arg2[%multiple_of3A_85] : memref<1048576xf32, #tpu.memory_space<hbm>> -> memref<16xf32, #tpu.memory_space<hbm>>
    tpu.enqueue_dma source(%dma_start3A_87 : memref<16xf32, #tpu.memory_space<hbm>>) target(%arg13 : memref<16xf32, #tpu.memory_space<vmem>>) target_semaphore(%arg14 : memref<!tpu.dma_semaphore, #tpu.memory_space<semaphore_mem>>)
    %dma_wait3A_88 = tpu.memref_slice %arg2[%multiple_of3A_85] : memref<1048576xf32, #tpu.memory_space<hbm>> -> memref<16xf32, #tpu.memory_space<hbm>>
    %dma_wait3A_89 = tpu.memref_slice %arg2[%multiple_of3A_85] : memref<1048576xf32, #tpu.memory_space<hbm>> -> memref<16xf32, #tpu.memory_space<hbm>>
    tpu.wait_dma2 semaphore(%arg14 : memref<!tpu.dma_semaphore, #tpu.memory_space<semaphore_mem>>) src(%dma_wait3A_89 : memref<16xf32, #tpu.memory_space<hbm>>) dst(%arg13 : memref<16xf32, #tpu.memory_space<vmem>>)
    %sub3A_90 = arith.subi %squeeze3A, %min3A_56 : i32
    %get3A_91 = arith.constant 0 : index
    %get3A_92 = tpu.vector_load %arg11[%get3A_91] {strides = array<i32>} : memref<16xf32, #tpu.memory_space<vmem>>, vector<16xf32>,
    %slice3A_93 = vector.extract_strided_slice %get3A_92 {offsets = [0], sizes = [1], strides = [1]} : vector<16xf32> to vector<1xf32>
    %squeeze3A_94 = vector.extract %slice3A_93[0] : f32 from vector<1xf32>
    %broadcast_in_dim3A = vector.broadcast %squeeze3A_94 : f32 to vector<16xf32>
    %get3A_95 = arith.constant 0 : index
    %get3A_96 = tpu.vector_load %arg12[%get3A_95] {strides = array<i32>} : memref<16xf32, #tpu.memory_space<vmem>>, vector<16xf32>,
    %slice3A_97 = vector.extract_strided_slice %get3A_96 {offsets = [0], sizes = [1], strides = [1]} : vector<16xf32> to vector<1xf32>
    %squeeze3A_98 = vector.extract %slice3A_97[0] : f32 from vector<1xf32>
    %broadcast_in_dim3A_99 = vector.broadcast %squeeze3A_98 : f32 to vector<16xf32>
    %get3A_100 = arith.constant 0 : index
    %get3A_101 = tpu.vector_load %arg13[%get3A_100] {strides = array<i32>} : memref<16xf32, #tpu.memory_space<vmem>>, vector<16xf32>,
    %slice3A_102 = vector.extract_strided_slice %get3A_101 {offsets = [0], sizes = [1], strides = [1]} : vector<16xf32> to vector<1xf32>
    %squeeze3A_103 = vector.extract %slice3A_102[0] : f32 from vector<1xf32>
    %broadcast_in_dim3A_104 = vector.broadcast %squeeze3A_103 : f32 to vector<16xf32>
    %sub3A_105 = arith.constant 1 : i32
    %sub3A_106 = arith.subi %sub3A_90, %sub3A_105 : i32
    %get3A_107 = arith.index_cast %sub3A_106 : i32 to index
    %get3A_108 = tpu.vector_load %arg8[%get3A_107] {strides = array<i32>} : memref<1040xf32, #tpu.memory_space<vmem>>, vector<16xf32>,
    %slice3A_109 = vector.extract_strided_slice %get3A_108 {offsets = [0], sizes = [1], strides = [1]} : vector<16xf32> to vector<1xf32>
    %squeeze3A_110 = vector.extract %slice3A_109[0] : f32 from vector<1xf32>
    %broadcast_in_dim3A_111 = vector.broadcast %squeeze3A_110 : f32 to vector<16xf32>
    %sub3A_112 = arith.subf %broadcast_in_dim3A_104, %broadcast_in_dim3A_99 : vector<16xf32>
    %sub3A_113 = arith.subf %broadcast_in_dim3A_111, %broadcast_in_dim3A : vector<16xf32>
    %div3A_114 = arith.divf %sub3A_112, %sub3A_113 : vector<16xf32>
    %broadcast_in_dim3A_115 = arith.constant -9.990000e+02 : f32
    %broadcast_in_dim3A_116 = vector.broadcast %broadcast_in_dim3A_115 : f32 to vector<16xf32>
    %scan3A = arith.constant 0 : i32
    %scan3A_117 = arith.constant 0 : i32
    %scan3A_118 = arith.constant 128 : i32
    %scan3A_119 = arith.addi %scan3A_117, %scan3A_118 : i32
    %scan3A_120 = arith.constant 1 : i32
    scf.for %scan3A_864 = %scan3A_117 to %scan3A_119 step %scan3A_120  : i32 {
      %mul3A_865 = arith.constant 256 : i32
      %mul3A_866 = arith.muli %scan3A_864, %mul3A_865 : i32
      %add3A_867 = arith.constant 0 : i32
      %add3A_868 = arith.addi %mul3A_866, %add3A_867 : i32
      %swap3A = arith.index_cast %add3A_868 : i32 to index
      %swap3A_869 = tpu.vector_load %arg7[%swap3A] {strides = array<i32>} : memref<32768xf32, #tpu.memory_space<vmem>>, vector<16xf32>,
      tpu.vector_store %arg7[%swap3A], %broadcast_in_dim3A_116 {strides = array<i32>} : memref<32768xf32, #tpu.memory_space<vmem>>, vector<16xf32>,
      %add3A_870 = arith.constant 16 : i32
      %add3A_871 = arith.addi %mul3A_866, %add3A_870 : i32
      %swap3A_872 = arith.index_cast %add3A_871 : i32 to index
      %swap3A_873 = tpu.vector_load %arg7[%swap3A_872] {strides = array<i32>} : memref<32768xf32, #tpu.memory_space<vmem>>, vector<16xf32>,
      tpu.vector_store %arg7[%swap3A_872], %broadcast_in_dim3A_116 {strides = array<i32>} : memref<32768xf32, #tpu.memory_space<vmem>>, vector<16xf32>,
      %add3A_874 = arith.constant 32 : i32
      %add3A_875 = arith.addi %mul3A_866, %add3A_874 : i32
      %swap3A_876 = arith.index_cast %add3A_875 : i32 to index
      %swap3A_877 = tpu.vector_load %arg7[%swap3A_876] {strides = array<i32>} : memref<32768xf32, #tpu.memory_space<vmem>>, vector<16xf32>,
      tpu.vector_store %arg7[%swap3A_876], %broadcast_in_dim3A_116 {strides = array<i32>} : memref<32768xf32, #tpu.memory_space<vmem>>, vector<16xf32>,
      %add3A_878 = arith.constant 48 : i32
      %add3A_879 = arith.addi %mul3A_866, %add3A_878 : i32
      %swap3A_880 = arith.index_cast %add3A_879 : i32 to index
      %swap3A_881 = tpu.vector_load %arg7[%swap3A_880] {strides = array<i32>} : memref<32768xf32, #tpu.memory_space<vmem>>, vector<16xf32>,
      tpu.vector_store %arg7[%swap3A_880], %broadcast_in_dim3A_116 {strides = array<i32>} : memref<32768xf32, #tpu.memory_space<vmem>>, vector<16xf32>,
      %add3A_882 = arith.constant 64 : i32
      %add3A_883 = arith.addi %mul3A_866, %add3A_882 : i32
      %swap3A_884 = arith.index_cast %add3A_883 : i32 to index
      %swap3A_885 = tpu.vector_load %arg7[%swap3A_884] {strides = array<i32>} : memref<32768xf32, #tpu.memory_space<vmem>>, vector<16xf32>,
      tpu.vector_store %arg7[%swap3A_884], %broadcast_in_dim3A_116 {strides = array<i32>} : memref<32768xf32, #tpu.memory_space<vmem>>, vector<16xf32>,
      %add3A_886 = arith.constant 80 : i32
      %add3A_887 = arith.addi %mul3A_866, %add3A_886 : i32
      %swap3A_888 = arith.index_cast %add3A_887 : i32 to index
      %swap3A_889 = tpu.vector_load %arg7[%swap3A_888] {strides = array<i32>} : memref<32768xf32, #tpu.memory_space<vmem>>, vector<16xf32>,
      tpu.vector_store %arg7[%swap3A_888], %broadcast_in_dim3A_116 {strides = array<i32>} : memref<32768xf32, #tpu.memory_space<vmem>>, vector<16xf32>,
      %add3A_890 = arith.constant 96 : i32
      %add3A_891 = arith.addi %mul3A_866, %add3A_890 : i32
      %swap3A_892 = arith.index_cast %add3A_891 : i32 to index
      %swap3A_893 = tpu.vector_load %arg7[%swap3A_892] {strides = array<i32>} : memref<32768xf32, #tpu.memory_space<vmem>>, vector<16xf32>,
      tpu.vector_store %arg7[%swap3A_892], %broadcast_in_dim3A_116 {strides = array<i32>} : memref<32768xf32, #tpu.memory_space<vmem>>, vector<16xf32>,
      %add3A_894 = arith.constant 112 : i32
      %add3A_895 = arith.addi %mul3A_866, %add3A_894 : i32
      %swap3A_896 = arith.index_cast %add3A_895 : i32 to index
      %swap3A_897 = tpu.vector_load %arg7[%swap3A_896] {strides = array<i32>} : memref<32768xf32, #tpu.memory_space<vmem>>, vector<16xf32>,
      tpu.vector_store %arg7[%swap3A_896], %broadcast_in_dim3A_116 {strides = array<i32>} : memref<32768xf32, #tpu.memory_space<vmem>>, vector<16xf32>,
      %add3A_898 = arith.constant 128 : i32
      %add3A_899 = arith.addi %mul3A_866, %add3A_898 : i32
      %swap3A_900 = arith.index_cast %add3A_899 : i32 to index
      %swap3A_901 = tpu.vector_load %arg7[%swap3A_900] {strides = array<i32>} : memref<32768xf32, #tpu.memory_space<vmem>>, vector<16xf32>,
      tpu.vector_store %arg7[%swap3A_900], %broadcast_in_dim3A_116 {strides = array<i32>} : memref<32768xf32, #tpu.memory_space<vmem>>, vector<16xf32>,
      %add3A_902 = arith.constant 144 : i32
      %add3A_903 = arith.addi %mul3A_866, %add3A_902 : i32
      %swap3A_904 = arith.index_cast %add3A_903 : i32 to index
      %swap3A_905 = tpu.vector_load %arg7[%swap3A_904] {strides = array<i32>} : memref<32768xf32, #tpu.memory_space<vmem>>, vector<16xf32>,
      tpu.vector_store %arg7[%swap3A_904], %broadcast_in_dim3A_116 {strides = array<i32>} : memref<32768xf32, #tpu.memory_space<vmem>>, vector<16xf32>,
      %add3A_906 = arith.constant 160 : i32
      %add3A_907 = arith.addi %mul3A_866, %add3A_906 : i32
      %swap3A_908 = arith.index_cast %add3A_907 : i32 to index
      %swap3A_909 = tpu.vector_load %arg7[%swap3A_908] {strides = array<i32>} : memref<32768xf32, #tpu.memory_space<vmem>>, vector<16xf32>,
      tpu.vector_store %arg7[%swap3A_908], %broadcast_in_dim3A_116 {strides = array<i32>} : memref<32768xf32, #tpu.memory_space<vmem>>, vector<16xf32>,
      %add3A_910 = arith.constant 176 : i32
      %add3A_911 = arith.addi %mul3A_866, %add3A_910 : i32
      %swap3A_912 = arith.index_cast %add3A_911 : i32 to index
      %swap3A_913 = tpu.vector_load %arg7[%swap3A_912] {strides = array<i32>} : memref<32768xf32, #tpu.memory_space<vmem>>, vector<16xf32>,
      tpu.vector_store %arg7[%swap3A_912], %broadcast_in_dim3A_116 {strides = array<i32>} : memref<32768xf32, #tpu.memory_space<vmem>>, vector<16xf32>,
      %add3A_914 = arith.constant 192 : i32
      %add3A_915 = arith.addi %mul3A_866, %add3A_914 : i32
      %swap3A_916 = arith.index_cast %add3A_915 : i32 to index
      %swap3A_917 = tpu.vector_load %arg7[%swap3A_916] {strides = array<i32>} : memref<32768xf32, #tpu.memory_space<vmem>>, vector<16xf32>,
      tpu.vector_store %arg7[%swap3A_916], %broadcast_in_dim3A_116 {strides = array<i32>} : memref<32768xf32, #tpu.memory_space<vmem>>, vector<16xf32>,
      %add3A_918 = arith.constant 208 : i32
      %add3A_919 = arith.addi %mul3A_866, %add3A_918 : i32
      %swap3A_920 = arith.index_cast %add3A_919 : i32 to index
      %swap3A_921 = tpu.vector_load %arg7[%swap3A_920] {strides = array<i32>} : memref<32768xf32, #tpu.memory_space<vmem>>, vector<16xf32>,
      tpu.vector_store %arg7[%swap3A_920], %broadcast_in_dim3A_116 {strides = array<i32>} : memref<32768xf32, #tpu.memory_space<vmem>>, vector<16xf32>,
      %add3A_922 = arith.constant 224 : i32
      %add3A_923 = arith.addi %mul3A_866, %add3A_922 : i32
      %swap3A_924 = arith.index_cast %add3A_923 : i32 to index
      %swap3A_925 = tpu.vector_load %arg7[%swap3A_924] {strides = array<i32>} : memref<32768xf32, #tpu.memory_space<vmem>>, vector<16xf32>,
      tpu.vector_store %arg7[%swap3A_924], %broadcast_in_dim3A_116 {strides = array<i32>} : memref<32768xf32, #tpu.memory_space<vmem>>, vector<16xf32>,
      %add3A_926 = arith.constant 240 : i32
      %add3A_927 = arith.addi %mul3A_866, %add3A_926 : i32
      %swap3A_928 = arith.index_cast %add3A_927 : i32 to index
      %swap3A_929 = tpu.vector_load %arg7[%swap3A_928] {strides = array<i32>} : memref<32768xf32, #tpu.memory_space<vmem>>, vector<16xf32>,
      tpu.vector_store %arg7[%swap3A_928], %broadcast_in_dim3A_116 {strides = array<i32>} : memref<32768xf32, #tpu.memory_space<vmem>>, vector<16xf32>,
    }
    %scan3A_121 = arith.constant 128 : i32
    %iota3A = tpu.iota {dimensions = array<i32: 0>} : vector<16xi32>
    %add3A_122 = arith.addi %sub3A_90, %mul3A_32 : i32
    %add3A_123 = arith.constant 0 : i32
    %add3A_124 = arith.addi %add3A_122, %add3A_123 : i32
    %get3A_125 = arith.index_cast %add3A_124 : i32 to index
    %get3A_126 = tpu.vector_load %arg8[%get3A_125] {strides = array<i32>} : memref<1040xf32, #tpu.memory_space<vmem>>, vector<16xf32>,
    %sub3A_127 = arith.subf %get3A_126, %broadcast_in_dim3A : vector<16xf32>
    %mul3A_128 = arith.mulf %div3A_114, %sub3A_127 : vector<16xf32>
    %add3A_129 = arith.addf %mul3A_128, %broadcast_in_dim3A_99 : vector<16xf32>
    %add3A_130 = arith.constant 0 : i32
    %add3A_131 = arith.addi %mul3A_32, %add3A_130 : i32
    %add3A_132 = vector.broadcast %add3A_131 : i32 to vector<16xi32>
    %add3A_133 = arith.addi %add3A_132, %iota3A : vector<16xi32>
    %lt3A_134 = vector.broadcast %squeeze3A_51 : i32 to vector<16xi32>
    %lt3A_135 = arith.cmpi slt, %add3A_133, %lt3A_134 : vector<16xi32>
    %jit3A_136 = arith.constant -9.990000e+02 : f32
    %broadcast_in_dim3A_137 = vector.broadcast %jit3A_136 : f32 to vector<16xf32>
    %select_n3A_138 = arith.select %lt3A_135, %add3A_129, %broadcast_in_dim3A_137 : vector<16xi1>, vector<16xf32>
    %add3A_139 = arith.constant 0 : i32
    %add3A_140 = vector.broadcast %add3A_139 : i32 to vector<16xi32>
    %add3A_141 = arith.addi %add3A_140, %iota3A : vector<16xi32>
    %mul3A_142 = arith.constant 64 : i32
    %mul3A_143 = vector.broadcast %mul3A_142 : i32 to vector<16xi32>
    %mul3A_144 = arith.muli %add3A_141, %mul3A_143 : vector<16xi32>
    tpu.vector_store_idx %arg7[%mul3A_144], %select_n3A_138 : memref<32768xf32, #tpu.memory_space<vmem>>[vector<16xi32>], vector<16xf32>,
    %add3A_145 = arith.addi %sub3A_90, %mul3A_32 : i32
    %add3A_146 = arith.constant 16 : i32
    %add3A_147 = arith.addi %add3A_145, %add3A_146 : i32
    %get3A_148 = arith.index_cast %add3A_147 : i32 to index
    %get3A_149 = tpu.vector_load %arg8[%get3A_148] {strides = array<i32>} : memref<1040xf32, #tpu.memory_space<vmem>>, vector<16xf32>,
    %sub3A_150 = arith.subf %get3A_149, %broadcast_in_dim3A : vector<16xf32>
    %mul3A_151 = arith.mulf %div3A_114, %sub3A_150 : vector<16xf32>
    %add3A_152 = arith.addf %mul3A_151, %broadcast_in_dim3A_99 : vector<16xf32>
    %add3A_153 = arith.constant 16 : i32
    %add3A_154 = arith.addi %mul3A_32, %add3A_153 : i32
    %add3A_155 = vector.broadcast %add3A_154 : i32 to vector<16xi32>
    %add3A_156 = arith.addi %add3A_155, %iota3A : vector<16xi32>
    %lt3A_157 = vector.broadcast %squeeze3A_51 : i32 to vector<16xi32>
    %lt3A_158 = arith.cmpi slt, %add3A_156, %lt3A_157 : vector<16xi32>
    %jit3A_159 = arith.constant -9.990000e+02 : f32
    %broadcast_in_dim3A_160 = vector.broadcast %jit3A_159 : f32 to vector<16xf32>
    %select_n3A_161 = arith.select %lt3A_158, %add3A_152, %broadcast_in_dim3A_160 : vector<16xi1>, vector<16xf32>
    %add3A_162 = arith.constant 16 : i32
    %add3A_163 = vector.broadcast %add3A_162 : i32 to vector<16xi32>
    %add3A_164 = arith.addi %add3A_163, %iota3A : vector<16xi32>
    %mul3A_165 = arith.constant 64 : i32
    %mul3A_166 = vector.broadcast %mul3A_165 : i32 to vector<16xi32>
    %mul3A_167 = arith.muli %add3A_164, %mul3A_166 : vector<16xi32>
    tpu.vector_store_idx %arg7[%mul3A_167], %select_n3A_161 : memref<32768xf32, #tpu.memory_space<vmem>>[vector<16xi32>], vector<16xf32>,
    %add3A_168 = arith.addi %sub3A_90, %mul3A_32 : i32
    %add3A_169 = arith.constant 32 : i32
    %add3A_170 = arith.addi %add3A_168, %add3A_169 : i32
    %get3A_171 = arith.index_cast %add3A_170 : i32 to index
    %get3A_172 = tpu.vector_load %arg8[%get3A_171] {strides = array<i32>} : memref<1040xf32, #tpu.memory_space<vmem>>, vector<16xf32>,
    %sub3A_173 = arith.subf %get3A_172, %broadcast_in_dim3A : vector<16xf32>
    %mul3A_174 = arith.mulf %div3A_114, %sub3A_173 : vector<16xf32>
    %add3A_175 = arith.addf %mul3A_174, %broadcast_in_dim3A_99 : vector<16xf32>
    %add3A_176 = arith.constant 32 : i32
    %add3A_177 = arith.addi %mul3A_32, %add3A_176 : i32
    %add3A_178 = vector.broadcast %add3A_177 : i32 to vector<16xi32>
    %add3A_179 = arith.addi %add3A_178, %iota3A : vector<16xi32>
    %lt3A_180 = vector.broadcast %squeeze3A_51 : i32 to vector<16xi32>
    %lt3A_181 = arith.cmpi slt, %add3A_179, %lt3A_180 : vector<16xi32>
    %jit3A_182 = arith.constant -9.990000e+02 : f32
    %broadcast_in_dim3A_183 = vector.broadcast %jit3A_182 : f32 to vector<16xf32>
    %select_n3A_184 = arith.select %lt3A_181, %add3A_175, %broadcast_in_dim3A_183 : vector<16xi1>, vector<16xf32>
    %add3A_185 = arith.constant 32 : i32
    %add3A_186 = vector.broadcast %add3A_185 : i32 to vector<16xi32>
    %add3A_187 = arith.addi %add3A_186, %iota3A : vector<16xi32>
    %mul3A_188 = arith.constant 64 : i32
    %mul3A_189 = vector.broadcast %mul3A_188 : i32 to vector<16xi32>
    %mul3A_190 = arith.muli %add3A_187, %mul3A_189 : vector<16xi32>
    tpu.vector_store_idx %arg7[%mul3A_190], %select_n3A_184 : memref<32768xf32, #tpu.memory_space<vmem>>[vector<16xi32>], vector<16xf32>,
    %add3A_191 = arith.addi %sub3A_90, %mul3A_32 : i32
    %add3A_192 = arith.constant 48 : i32
    %add3A_193 = arith.addi %add3A_191, %add3A_192 : i32
    %get3A_194 = arith.index_cast %add3A_193 : i32 to index
    %get3A_195 = tpu.vector_load %arg8[%get3A_194] {strides = array<i32>} : memref<1040xf32, #tpu.memory_space<vmem>>, vector<16xf32>,
    %sub3A_196 = arith.subf %get3A_195, %broadcast_in_dim3A : vector<16xf32>
    %mul3A_197 = arith.mulf %div3A_114, %sub3A_196 : vector<16xf32>
    %add3A_198 = arith.addf %mul3A_197, %broadcast_in_dim3A_99 : vector<16xf32>
    %add3A_199 = arith.constant 48 : i32
    %add3A_200 = arith.addi %mul3A_32, %add3A_199 : i32
    %add3A_201 = vector.broadcast %add3A_200 : i32 to vector<16xi32>
    %add3A_202 = arith.addi %add3A_201, %iota3A : vector<16xi32>
    %lt3A_203 = vector.broadcast %squeeze3A_51 : i32 to vector<16xi32>
    %lt3A_204 = arith.cmpi slt, %add3A_202, %lt3A_203 : vector<16xi32>
    %jit3A_205 = arith.constant -9.990000e+02 : f32
    %broadcast_in_dim3A_206 = vector.broadcast %jit3A_205 : f32 to vector<16xf32>
    %select_n3A_207 = arith.select %lt3A_204, %add3A_198, %broadcast_in_dim3A_206 : vector<16xi1>, vector<16xf32>
    %add3A_208 = arith.constant 48 : i32
    %add3A_209 = vector.broadcast %add3A_208 : i32 to vector<16xi32>
    %add3A_210 = arith.addi %add3A_209, %iota3A : vector<16xi32>
    %mul3A_211 = arith.constant 64 : i32
    %mul3A_212 = vector.broadcast %mul3A_211 : i32 to vector<16xi32>
    %mul3A_213 = arith.muli %add3A_210, %mul3A_212 : vector<16xi32>
    tpu.vector_store_idx %arg7[%mul3A_213], %select_n3A_207 : memref<32768xf32, #tpu.memory_space<vmem>>[vector<16xi32>], vector<16xf32>,
    %add3A_214 = arith.addi %sub3A_90, %mul3A_32 : i32
    %add3A_215 = arith.constant 64 : i32
    %add3A_216 = arith.addi %add3A_214, %add3A_215 : i32
    %get3A_217 = arith.index_cast %add3A_216 : i32 to index
    %get3A_218 = tpu.vector_load %arg8[%get3A_217] {strides = array<i32>} : memref<1040xf32, #tpu.memory_space<vmem>>, vector<16xf32>,
    %sub3A_219 = arith.subf %get3A_218, %broadcast_in_dim3A : vector<16xf32>
    %mul3A_220 = arith.mulf %div3A_114, %sub3A_219 : vector<16xf32>
    %add3A_221 = arith.addf %mul3A_220, %broadcast_in_dim3A_99 : vector<16xf32>
    %add3A_222 = arith.constant 64 : i32
    %add3A_223 = arith.addi %mul3A_32, %add3A_222 : i32
    %add3A_224 = vector.broadcast %add3A_223 : i32 to vector<16xi32>
    %add3A_225 = arith.addi %add3A_224, %iota3A : vector<16xi32>
    %lt3A_226 = vector.broadcast %squeeze3A_51 : i32 to vector<16xi32>
    %lt3A_227 = arith.cmpi slt, %add3A_225, %lt3A_226 : vector<16xi32>
    %jit3A_228 = arith.constant -9.990000e+02 : f32
    %broadcast_in_dim3A_229 = vector.broadcast %jit3A_228 : f32 to vector<16xf32>
    %select_n3A_230 = arith.select %lt3A_227, %add3A_221, %broadcast_in_dim3A_229 : vector<16xi1>, vector<16xf32>
    %add3A_231 = arith.constant 64 : i32
    %add3A_232 = vector.broadcast %add3A_231 : i32 to vector<16xi32>
    %add3A_233 = arith.addi %add3A_232, %iota3A : vector<16xi32>
    %mul3A_234 = arith.constant 64 : i32
    %mul3A_235 = vector.broadcast %mul3A_234 : i32 to vector<16xi32>
    %mul3A_236 = arith.muli %add3A_233, %mul3A_235 : vector<16xi32>
    tpu.vector_store_idx %arg7[%mul3A_236], %select_n3A_230 : memref<32768xf32, #tpu.memory_space<vmem>>[vector<16xi32>], vector<16xf32>,
    %add3A_237 = arith.addi %sub3A_90, %mul3A_32 : i32
    %add3A_238 = arith.constant 80 : i32
    %add3A_239 = arith.addi %add3A_237, %add3A_238 : i32
    %get3A_240 = arith.index_cast %add3A_239 : i32 to index
    %get3A_241 = tpu.vector_load %arg8[%get3A_240] {strides = array<i32>} : memref<1040xf32, #tpu.memory_space<vmem>>, vector<16xf32>,
    %sub3A_242 = arith.subf %get3A_241, %broadcast_in_dim3A : vector<16xf32>
    %mul3A_243 = arith.mulf %div3A_114, %sub3A_242 : vector<16xf32>
    %add3A_244 = arith.addf %mul3A_243, %broadcast_in_dim3A_99 : vector<16xf32>
    %add3A_245 = arith.constant 80 : i32
    %add3A_246 = arith.addi %mul3A_32, %add3A_245 : i32
    %add3A_247 = vector.broadcast %add3A_246 : i32 to vector<16xi32>
    %add3A_248 = arith.addi %add3A_247, %iota3A : vector<16xi32>
    %lt3A_249 = vector.broadcast %squeeze3A_51 : i32 to vector<16xi32>
    %lt3A_250 = arith.cmpi slt, %add3A_248, %lt3A_249 : vector<16xi32>
    %jit3A_251 = arith.constant -9.990000e+02 : f32
    %broadcast_in_dim3A_252 = vector.broadcast %jit3A_251 : f32 to vector<16xf32>
    %select_n3A_253 = arith.select %lt3A_250, %add3A_244, %broadcast_in_dim3A_252 : vector<16xi1>, vector<16xf32>
    %add3A_254 = arith.constant 80 : i32
    %add3A_255 = vector.broadcast %add3A_254 : i32 to vector<16xi32>
    %add3A_256 = arith.addi %add3A_255, %iota3A : vector<16xi32>
    %mul3A_257 = arith.constant 64 : i32
    %mul3A_258 = vector.broadcast %mul3A_257 : i32 to vector<16xi32>
    %mul3A_259 = arith.muli %add3A_256, %mul3A_258 : vector<16xi32>
    tpu.vector_store_idx %arg7[%mul3A_259], %select_n3A_253 : memref<32768xf32, #tpu.memory_space<vmem>>[vector<16xi32>], vector<16xf32>,
    %add3A_260 = arith.addi %sub3A_90, %mul3A_32 : i32
    %add3A_261 = arith.constant 96 : i32
    %add3A_262 = arith.addi %add3A_260, %add3A_261 : i32
    %get3A_263 = arith.index_cast %add3A_262 : i32 to index
    %get3A_264 = tpu.vector_load %arg8[%get3A_263] {strides = array<i32>} : memref<1040xf32, #tpu.memory_space<vmem>>, vector<16xf32>,
    %sub3A_265 = arith.subf %get3A_264, %broadcast_in_dim3A : vector<16xf32>
    %mul3A_266 = arith.mulf %div3A_114, %sub3A_265 : vector<16xf32>
    %add3A_267 = arith.addf %mul3A_266, %broadcast_in_dim3A_99 : vector<16xf32>
    %add3A_268 = arith.constant 96 : i32
    %add3A_269 = arith.addi %mul3A_32, %add3A_268 : i32
    %add3A_270 = vector.broadcast %add3A_269 : i32 to vector<16xi32>
    %add3A_271 = arith.addi %add3A_270, %iota3A : vector<16xi32>
    %lt3A_272 = vector.broadcast %squeeze3A_51 : i32 to vector<16xi32>
    %lt3A_273 = arith.cmpi slt, %add3A_271, %lt3A_272 : vector<16xi32>
    %jit3A_274 = arith.constant -9.990000e+02 : f32
    %broadcast_in_dim3A_275 = vector.broadcast %jit3A_274 : f32 to vector<16xf32>
    %select_n3A_276 = arith.select %lt3A_273, %add3A_267, %broadcast_in_dim3A_275 : vector<16xi1>, vector<16xf32>
    %add3A_277 = arith.constant 96 : i32
    %add3A_278 = vector.broadcast %add3A_277 : i32 to vector<16xi32>
    %add3A_279 = arith.addi %add3A_278, %iota3A : vector<16xi32>
    %mul3A_280 = arith.constant 64 : i32
    %mul3A_281 = vector.broadcast %mul3A_280 : i32 to vector<16xi32>
    %mul3A_282 = arith.muli %add3A_279, %mul3A_281 : vector<16xi32>
    tpu.vector_store_idx %arg7[%mul3A_282], %select_n3A_276 : memref<32768xf32, #tpu.memory_space<vmem>>[vector<16xi32>], vector<16xf32>,
    %add3A_283 = arith.addi %sub3A_90, %mul3A_32 : i32
    %add3A_284 = arith.constant 112 : i32
    %add3A_285 = arith.addi %add3A_283, %add3A_284 : i32
    %get3A_286 = arith.index_cast %add3A_285 : i32 to index
    %get3A_287 = tpu.vector_load %arg8[%get3A_286] {strides = array<i32>} : memref<1040xf32, #tpu.memory_space<vmem>>, vector<16xf32>,
    %sub3A_288 = arith.subf %get3A_287, %broadcast_in_dim3A : vector<16xf32>
    %mul3A_289 = arith.mulf %div3A_114, %sub3A_288 : vector<16xf32>
    %add3A_290 = arith.addf %mul3A_289, %broadcast_in_dim3A_99 : vector<16xf32>
    %add3A_291 = arith.constant 112 : i32
    %add3A_292 = arith.addi %mul3A_32, %add3A_291 : i32
    %add3A_293 = vector.broadcast %add3A_292 : i32 to vector<16xi32>
    %add3A_294 = arith.addi %add3A_293, %iota3A : vector<16xi32>
    %lt3A_295 = vector.broadcast %squeeze3A_51 : i32 to vector<16xi32>
    %lt3A_296 = arith.cmpi slt, %add3A_294, %lt3A_295 : vector<16xi32>
    %jit3A_297 = arith.constant -9.990000e+02 : f32
    %broadcast_in_dim3A_298 = vector.broadcast %jit3A_297 : f32 to vector<16xf32>
    %select_n3A_299 = arith.select %lt3A_296, %add3A_290, %broadcast_in_dim3A_298 : vector<16xi1>, vector<16xf32>
    %add3A_300 = arith.constant 112 : i32
    %add3A_301 = vector.broadcast %add3A_300 : i32 to vector<16xi32>
    %add3A_302 = arith.addi %add3A_301, %iota3A : vector<16xi32>
    %mul3A_303 = arith.constant 64 : i32
    %mul3A_304 = vector.broadcast %mul3A_303 : i32 to vector<16xi32>
    %mul3A_305 = arith.muli %add3A_302, %mul3A_304 : vector<16xi32>
    tpu.vector_store_idx %arg7[%mul3A_305], %select_n3A_299 : memref<32768xf32, #tpu.memory_space<vmem>>[vector<16xi32>], vector<16xf32>,
    %add3A_306 = arith.addi %sub3A_90, %mul3A_32 : i32
    %add3A_307 = arith.constant 128 : i32
    %add3A_308 = arith.addi %add3A_306, %add3A_307 : i32
    %get3A_309 = arith.index_cast %add3A_308 : i32 to index
    %get3A_310 = tpu.vector_load %arg8[%get3A_309] {strides = array<i32>} : memref<1040xf32, #tpu.memory_space<vmem>>, vector<16xf32>,
    %sub3A_311 = arith.subf %get3A_310, %broadcast_in_dim3A : vector<16xf32>
    %mul3A_312 = arith.mulf %div3A_114, %sub3A_311 : vector<16xf32>
    %add3A_313 = arith.addf %mul3A_312, %broadcast_in_dim3A_99 : vector<16xf32>
    %add3A_314 = arith.constant 128 : i32
    %add3A_315 = arith.addi %mul3A_32, %add3A_314 : i32
    %add3A_316 = vector.broadcast %add3A_315 : i32 to vector<16xi32>
    %add3A_317 = arith.addi %add3A_316, %iota3A : vector<16xi32>
    %lt3A_318 = vector.broadcast %squeeze3A_51 : i32 to vector<16xi32>
    %lt3A_319 = arith.cmpi slt, %add3A_317, %lt3A_318 : vector<16xi32>
    %jit3A_320 = arith.constant -9.990000e+02 : f32
    %broadcast_in_dim3A_321 = vector.broadcast %jit3A_320 : f32 to vector<16xf32>
    %select_n3A_322 = arith.select %lt3A_319, %add3A_313, %broadcast_in_dim3A_321 : vector<16xi1>, vector<16xf32>
    %add3A_323 = arith.constant 128 : i32
    %add3A_324 = vector.broadcast %add3A_323 : i32 to vector<16xi32>
    %add3A_325 = arith.addi %add3A_324, %iota3A : vector<16xi32>
    %mul3A_326 = arith.constant 64 : i32
    %mul3A_327 = vector.broadcast %mul3A_326 : i32 to vector<16xi32>
    %mul3A_328 = arith.muli %add3A_325, %mul3A_327 : vector<16xi32>
    tpu.vector_store_idx %arg7[%mul3A_328], %select_n3A_322 : memref<32768xf32, #tpu.memory_space<vmem>>[vector<16xi32>], vector<16xf32>,
    %add3A_329 = arith.addi %sub3A_90, %mul3A_32 : i32
    %add3A_330 = arith.constant 144 : i32
    %add3A_331 = arith.addi %add3A_329, %add3A_330 : i32
    %get3A_332 = arith.index_cast %add3A_331 : i32 to index
    %get3A_333 = tpu.vector_load %arg8[%get3A_332] {strides = array<i32>} : memref<1040xf32, #tpu.memory_space<vmem>>, vector<16xf32>,
    %sub3A_334 = arith.subf %get3A_333, %broadcast_in_dim3A : vector<16xf32>
    %mul3A_335 = arith.mulf %div3A_114, %sub3A_334 : vector<16xf32>
    %add3A_336 = arith.addf %mul3A_335, %broadcast_in_dim3A_99 : vector<16xf32>
    %add3A_337 = arith.constant 144 : i32
    %add3A_338 = arith.addi %mul3A_32, %add3A_337 : i32
    %add3A_339 = vector.broadcast %add3A_338 : i32 to vector<16xi32>
    %add3A_340 = arith.addi %add3A_339, %iota3A : vector<16xi32>
    %lt3A_341 = vector.broadcast %squeeze3A_51 : i32 to vector<16xi32>
    %lt3A_342 = arith.cmpi slt, %add3A_340, %lt3A_341 : vector<16xi32>
    %jit3A_343 = arith.constant -9.990000e+02 : f32
    %broadcast_in_dim3A_344 = vector.broadcast %jit3A_343 : f32 to vector<16xf32>
    %select_n3A_345 = arith.select %lt3A_342, %add3A_336, %broadcast_in_dim3A_344 : vector<16xi1>, vector<16xf32>
    %add3A_346 = arith.constant 144 : i32
    %add3A_347 = vector.broadcast %add3A_346 : i32 to vector<16xi32>
    %add3A_348 = arith.addi %add3A_347, %iota3A : vector<16xi32>
    %mul3A_349 = arith.constant 64 : i32
    %mul3A_350 = vector.broadcast %mul3A_349 : i32 to vector<16xi32>
    %mul3A_351 = arith.muli %add3A_348, %mul3A_350 : vector<16xi32>
    tpu.vector_store_idx %arg7[%mul3A_351], %select_n3A_345 : memref<32768xf32, #tpu.memory_space<vmem>>[vector<16xi32>], vector<16xf32>,
    %add3A_352 = arith.addi %sub3A_90, %mul3A_32 : i32
    %add3A_353 = arith.constant 160 : i32
    %add3A_354 = arith.addi %add3A_352, %add3A_353 : i32
    %get3A_355 = arith.index_cast %add3A_354 : i32 to index
    %get3A_356 = tpu.vector_load %arg8[%get3A_355] {strides = array<i32>} : memref<1040xf32, #tpu.memory_space<vmem>>, vector<16xf32>,
    %sub3A_357 = arith.subf %get3A_356, %broadcast_in_dim3A : vector<16xf32>
    %mul3A_358 = arith.mulf %div3A_114, %sub3A_357 : vector<16xf32>
    %add3A_359 = arith.addf %mul3A_358, %broadcast_in_dim3A_99 : vector<16xf32>
    %add3A_360 = arith.constant 160 : i32
    %add3A_361 = arith.addi %mul3A_32, %add3A_360 : i32
    %add3A_362 = vector.broadcast %add3A_361 : i32 to vector<16xi32>
    %add3A_363 = arith.addi %add3A_362, %iota3A : vector<16xi32>
    %lt3A_364 = vector.broadcast %squeeze3A_51 : i32 to vector<16xi32>
    %lt3A_365 = arith.cmpi slt, %add3A_363, %lt3A_364 : vector<16xi32>
    %jit3A_366 = arith.constant -9.990000e+02 : f32
    %broadcast_in_dim3A_367 = vector.broadcast %jit3A_366 : f32 to vector<16xf32>
    %select_n3A_368 = arith.select %lt3A_365, %add3A_359, %broadcast_in_dim3A_367 : vector<16xi1>, vector<16xf32>
    %add3A_369 = arith.constant 160 : i32
    %add3A_370 = vector.broadcast %add3A_369 : i32 to vector<16xi32>
    %add3A_371 = arith.addi %add3A_370, %iota3A : vector<16xi32>
    %mul3A_372 = arith.constant 64 : i32
    %mul3A_373 = vector.broadcast %mul3A_372 : i32 to vector<16xi32>
    %mul3A_374 = arith.muli %add3A_371, %mul3A_373 : vector<16xi32>
    tpu.vector_store_idx %arg7[%mul3A_374], %select_n3A_368 : memref<32768xf32, #tpu.memory_space<vmem>>[vector<16xi32>], vector<16xf32>,
    %add3A_375 = arith.addi %sub3A_90, %mul3A_32 : i32
    %add3A_376 = arith.constant 176 : i32
    %add3A_377 = arith.addi %add3A_375, %add3A_376 : i32
    %get3A_378 = arith.index_cast %add3A_377 : i32 to index
    %get3A_379 = tpu.vector_load %arg8[%get3A_378] {strides = array<i32>} : memref<1040xf32, #tpu.memory_space<vmem>>, vector<16xf32>,
    %sub3A_380 = arith.subf %get3A_379, %broadcast_in_dim3A : vector<16xf32>
    %mul3A_381 = arith.mulf %div3A_114, %sub3A_380 : vector<16xf32>
    %add3A_382 = arith.addf %mul3A_381, %broadcast_in_dim3A_99 : vector<16xf32>
    %add3A_383 = arith.constant 176 : i32
    %add3A_384 = arith.addi %mul3A_32, %add3A_383 : i32
    %add3A_385 = vector.broadcast %add3A_384 : i32 to vector<16xi32>
    %add3A_386 = arith.addi %add3A_385, %iota3A : vector<16xi32>
    %lt3A_387 = vector.broadcast %squeeze3A_51 : i32 to vector<16xi32>
    %lt3A_388 = arith.cmpi slt, %add3A_386, %lt3A_387 : vector<16xi32>
    %jit3A_389 = arith.constant -9.990000e+02 : f32
    %broadcast_in_dim3A_390 = vector.broadcast %jit3A_389 : f32 to vector<16xf32>
    %select_n3A_391 = arith.select %lt3A_388, %add3A_382, %broadcast_in_dim3A_390 : vector<16xi1>, vector<16xf32>
    %add3A_392 = arith.constant 176 : i32
    %add3A_393 = vector.broadcast %add3A_392 : i32 to vector<16xi32>
    %add3A_394 = arith.addi %add3A_393, %iota3A : vector<16xi32>
    %mul3A_395 = arith.constant 64 : i32
    %mul3A_396 = vector.broadcast %mul3A_395 : i32 to vector<16xi32>
    %mul3A_397 = arith.muli %add3A_394, %mul3A_396 : vector<16xi32>
    tpu.vector_store_idx %arg7[%mul3A_397], %select_n3A_391 : memref<32768xf32, #tpu.memory_space<vmem>>[vector<16xi32>], vector<16xf32>,
    %add3A_398 = arith.addi %sub3A_90, %mul3A_32 : i32
    %add3A_399 = arith.constant 192 : i32
    %add3A_400 = arith.addi %add3A_398, %add3A_399 : i32
    %get3A_401 = arith.index_cast %add3A_400 : i32 to index
    %get3A_402 = tpu.vector_load %arg8[%get3A_401] {strides = array<i32>} : memref<1040xf32, #tpu.memory_space<vmem>>, vector<16xf32>,
    %sub3A_403 = arith.subf %get3A_402, %broadcast_in_dim3A : vector<16xf32>
    %mul3A_404 = arith.mulf %div3A_114, %sub3A_403 : vector<16xf32>
    %add3A_405 = arith.addf %mul3A_404, %broadcast_in_dim3A_99 : vector<16xf32>
    %add3A_406 = arith.constant 192 : i32
    %add3A_407 = arith.addi %mul3A_32, %add3A_406 : i32
    %add3A_408 = vector.broadcast %add3A_407 : i32 to vector<16xi32>
    %add3A_409 = arith.addi %add3A_408, %iota3A : vector<16xi32>
    %lt3A_410 = vector.broadcast %squeeze3A_51 : i32 to vector<16xi32>
    %lt3A_411 = arith.cmpi slt, %add3A_409, %lt3A_410 : vector<16xi32>
    %jit3A_412 = arith.constant -9.990000e+02 : f32
    %broadcast_in_dim3A_413 = vector.broadcast %jit3A_412 : f32 to vector<16xf32>
    %select_n3A_414 = arith.select %lt3A_411, %add3A_405, %broadcast_in_dim3A_413 : vector<16xi1>, vector<16xf32>
    %add3A_415 = arith.constant 192 : i32
    %add3A_416 = vector.broadcast %add3A_415 : i32 to vector<16xi32>
    %add3A_417 = arith.addi %add3A_416, %iota3A : vector<16xi32>
    %mul3A_418 = arith.constant 64 : i32
    %mul3A_419 = vector.broadcast %mul3A_418 : i32 to vector<16xi32>
    %mul3A_420 = arith.muli %add3A_417, %mul3A_419 : vector<16xi32>
    tpu.vector_store_idx %arg7[%mul3A_420], %select_n3A_414 : memref<32768xf32, #tpu.memory_space<vmem>>[vector<16xi32>], vector<16xf32>,
    %add3A_421 = arith.addi %sub3A_90, %mul3A_32 : i32
    %add3A_422 = arith.constant 208 : i32
    %add3A_423 = arith.addi %add3A_421, %add3A_422 : i32
    %get3A_424 = arith.index_cast %add3A_423 : i32 to index
    %get3A_425 = tpu.vector_load %arg8[%get3A_424] {strides = array<i32>} : memref<1040xf32, #tpu.memory_space<vmem>>, vector<16xf32>,
    %sub3A_426 = arith.subf %get3A_425, %broadcast_in_dim3A : vector<16xf32>
    %mul3A_427 = arith.mulf %div3A_114, %sub3A_426 : vector<16xf32>
    %add3A_428 = arith.addf %mul3A_427, %broadcast_in_dim3A_99 : vector<16xf32>
    %add3A_429 = arith.constant 208 : i32
    %add3A_430 = arith.addi %mul3A_32, %add3A_429 : i32
    %add3A_431 = vector.broadcast %add3A_430 : i32 to vector<16xi32>
    %add3A_432 = arith.addi %add3A_431, %iota3A : vector<16xi32>
    %lt3A_433 = vector.broadcast %squeeze3A_51 : i32 to vector<16xi32>
    %lt3A_434 = arith.cmpi slt, %add3A_432, %lt3A_433 : vector<16xi32>
    %jit3A_435 = arith.constant -9.990000e+02 : f32
    %broadcast_in_dim3A_436 = vector.broadcast %jit3A_435 : f32 to vector<16xf32>
    %select_n3A_437 = arith.select %lt3A_434, %add3A_428, %broadcast_in_dim3A_436 : vector<16xi1>, vector<16xf32>
    %add3A_438 = arith.constant 208 : i32
    %add3A_439 = vector.broadcast %add3A_438 : i32 to vector<16xi32>
    %add3A_440 = arith.addi %add3A_439, %iota3A : vector<16xi32>
    %mul3A_441 = arith.constant 64 : i32
    %mul3A_442 = vector.broadcast %mul3A_441 : i32 to vector<16xi32>
    %mul3A_443 = arith.muli %add3A_440, %mul3A_442 : vector<16xi32>
    tpu.vector_store_idx %arg7[%mul3A_443], %select_n3A_437 : memref<32768xf32, #tpu.memory_space<vmem>>[vector<16xi32>], vector<16xf32>,
    %add3A_444 = arith.addi %sub3A_90, %mul3A_32 : i32
    %add3A_445 = arith.constant 224 : i32
    %add3A_446 = arith.addi %add3A_444, %add3A_445 : i32
    %get3A_447 = arith.index_cast %add3A_446 : i32 to index
    %get3A_448 = tpu.vector_load %arg8[%get3A_447] {strides = array<i32>} : memref<1040xf32, #tpu.memory_space<vmem>>, vector<16xf32>,
    %sub3A_449 = arith.subf %get3A_448, %broadcast_in_dim3A : vector<16xf32>
    %mul3A_450 = arith.mulf %div3A_114, %sub3A_449 : vector<16xf32>
    %add3A_451 = arith.addf %mul3A_450, %broadcast_in_dim3A_99 : vector<16xf32>
    %add3A_452 = arith.constant 224 : i32
    %add3A_453 = arith.addi %mul3A_32, %add3A_452 : i32
    %add3A_454 = vector.broadcast %add3A_453 : i32 to vector<16xi32>
    %add3A_455 = arith.addi %add3A_454, %iota3A : vector<16xi32>
    %lt3A_456 = vector.broadcast %squeeze3A_51 : i32 to vector<16xi32>
    %lt3A_457 = arith.cmpi slt, %add3A_455, %lt3A_456 : vector<16xi32>
    %jit3A_458 = arith.constant -9.990000e+02 : f32
    %broadcast_in_dim3A_459 = vector.broadcast %jit3A_458 : f32 to vector<16xf32>
    %select_n3A_460 = arith.select %lt3A_457, %add3A_451, %broadcast_in_dim3A_459 : vector<16xi1>, vector<16xf32>
    %add3A_461 = arith.constant 224 : i32
    %add3A_462 = vector.broadcast %add3A_461 : i32 to vector<16xi32>
    %add3A_463 = arith.addi %add3A_462, %iota3A : vector<16xi32>
    %mul3A_464 = arith.constant 64 : i32
    %mul3A_465 = vector.broadcast %mul3A_464 : i32 to vector<16xi32>
    %mul3A_466 = arith.muli %add3A_463, %mul3A_465 : vector<16xi32>
    tpu.vector_store_idx %arg7[%mul3A_466], %select_n3A_460 : memref<32768xf32, #tpu.memory_space<vmem>>[vector<16xi32>], vector<16xf32>,
    %add3A_467 = arith.addi %sub3A_90, %mul3A_32 : i32
    %add3A_468 = arith.constant 240 : i32
    %add3A_469 = arith.addi %add3A_467, %add3A_468 : i32
    %get3A_470 = arith.index_cast %add3A_469 : i32 to index
    %get3A_471 = tpu.vector_load %arg8[%get3A_470] {strides = array<i32>} : memref<1040xf32, #tpu.memory_space<vmem>>, vector<16xf32>,
    %sub3A_472 = arith.subf %get3A_471, %broadcast_in_dim3A : vector<16xf32>
    %mul3A_473 = arith.mulf %div3A_114, %sub3A_472 : vector<16xf32>
    %add3A_474 = arith.addf %mul3A_473, %broadcast_in_dim3A_99 : vector<16xf32>
    %add3A_475 = arith.constant 240 : i32
    %add3A_476 = arith.addi %mul3A_32, %add3A_475 : i32
    %add3A_477 = vector.broadcast %add3A_476 : i32 to vector<16xi32>
    %add3A_478 = arith.addi %add3A_477, %iota3A : vector<16xi32>
    %lt3A_479 = vector.broadcast %squeeze3A_51 : i32 to vector<16xi32>
    %lt3A_480 = arith.cmpi slt, %add3A_478, %lt3A_479 : vector<16xi32>
    %jit3A_481 = arith.constant -9.990000e+02 : f32
    %broadcast_in_dim3A_482 = vector.broadcast %jit3A_481 : f32 to vector<16xf32>
    %select_n3A_483 = arith.select %lt3A_480, %add3A_474, %broadcast_in_dim3A_482 : vector<16xi1>, vector<16xf32>
    %add3A_484 = arith.constant 240 : i32
    %add3A_485 = vector.broadcast %add3A_484 : i32 to vector<16xi32>
    %add3A_486 = arith.addi %add3A_485, %iota3A : vector<16xi32>
    %mul3A_487 = arith.constant 64 : i32
    %mul3A_488 = vector.broadcast %mul3A_487 : i32 to vector<16xi32>
    %mul3A_489 = arith.muli %add3A_486, %mul3A_488 : vector<16xi32>
    tpu.vector_store_idx %arg7[%mul3A_489], %select_n3A_483 : memref<32768xf32, #tpu.memory_space<vmem>>[vector<16xi32>], vector<16xf32>,
    %add3A_490 = arith.addi %sub3A_90, %mul3A_32 : i32
    %add3A_491 = arith.constant 256 : i32
    %add3A_492 = arith.addi %add3A_490, %add3A_491 : i32
    %get3A_493 = arith.index_cast %add3A_492 : i32 to index
    %get3A_494 = tpu.vector_load %arg8[%get3A_493] {strides = array<i32>} : memref<1040xf32, #tpu.memory_space<vmem>>, vector<16xf32>,
    %sub3A_495 = arith.subf %get3A_494, %broadcast_in_dim3A : vector<16xf32>
    %mul3A_496 = arith.mulf %div3A_114, %sub3A_495 : vector<16xf32>
    %add3A_497 = arith.addf %mul3A_496, %broadcast_in_dim3A_99 : vector<16xf32>
    %add3A_498 = arith.constant 256 : i32
    %add3A_499 = arith.addi %mul3A_32, %add3A_498 : i32
    %add3A_500 = vector.broadcast %add3A_499 : i32 to vector<16xi32>
    %add3A_501 = arith.addi %add3A_500, %iota3A : vector<16xi32>
    %lt3A_502 = vector.broadcast %squeeze3A_51 : i32 to vector<16xi32>
    %lt3A_503 = arith.cmpi slt, %add3A_501, %lt3A_502 : vector<16xi32>
    %jit3A_504 = arith.constant -9.990000e+02 : f32
    %broadcast_in_dim3A_505 = vector.broadcast %jit3A_504 : f32 to vector<16xf32>
    %select_n3A_506 = arith.select %lt3A_503, %add3A_497, %broadcast_in_dim3A_505 : vector<16xi1>, vector<16xf32>
    %add3A_507 = arith.constant 256 : i32
    %add3A_508 = vector.broadcast %add3A_507 : i32 to vector<16xi32>
    %add3A_509 = arith.addi %add3A_508, %iota3A : vector<16xi32>
    %mul3A_510 = arith.constant 64 : i32
    %mul3A_511 = vector.broadcast %mul3A_510 : i32 to vector<16xi32>
    %mul3A_512 = arith.muli %add3A_509, %mul3A_511 : vector<16xi32>
    tpu.vector_store_idx %arg7[%mul3A_512], %select_n3A_506 : memref<32768xf32, #tpu.memory_space<vmem>>[vector<16xi32>], vector<16xf32>,
    %add3A_513 = arith.addi %sub3A_90, %mul3A_32 : i32
    %add3A_514 = arith.constant 272 : i32
    %add3A_515 = arith.addi %add3A_513, %add3A_514 : i32
    %get3A_516 = arith.index_cast %add3A_515 : i32 to index
    %get3A_517 = tpu.vector_load %arg8[%get3A_516] {strides = array<i32>} : memref<1040xf32, #tpu.memory_space<vmem>>, vector<16xf32>,
    %sub3A_518 = arith.subf %get3A_517, %broadcast_in_dim3A : vector<16xf32>
    %mul3A_519 = arith.mulf %div3A_114, %sub3A_518 : vector<16xf32>
    %add3A_520 = arith.addf %mul3A_519, %broadcast_in_dim3A_99 : vector<16xf32>
    %add3A_521 = arith.constant 272 : i32
    %add3A_522 = arith.addi %mul3A_32, %add3A_521 : i32
    %add3A_523 = vector.broadcast %add3A_522 : i32 to vector<16xi32>
    %add3A_524 = arith.addi %add3A_523, %iota3A : vector<16xi32>
    %lt3A_525 = vector.broadcast %squeeze3A_51 : i32 to vector<16xi32>
    %lt3A_526 = arith.cmpi slt, %add3A_524, %lt3A_525 : vector<16xi32>
    %jit3A_527 = arith.constant -9.990000e+02 : f32
    %broadcast_in_dim3A_528 = vector.broadcast %jit3A_527 : f32 to vector<16xf32>
    %select_n3A_529 = arith.select %lt3A_526, %add3A_520, %broadcast_in_dim3A_528 : vector<16xi1>, vector<16xf32>
    %add3A_530 = arith.constant 272 : i32
    %add3A_531 = vector.broadcast %add3A_530 : i32 to vector<16xi32>
    %add3A_532 = arith.addi %add3A_531, %iota3A : vector<16xi32>
    %mul3A_533 = arith.constant 64 : i32
    %mul3A_534 = vector.broadcast %mul3A_533 : i32 to vector<16xi32>
    %mul3A_535 = arith.muli %add3A_532, %mul3A_534 : vector<16xi32>
    tpu.vector_store_idx %arg7[%mul3A_535], %select_n3A_529 : memref<32768xf32, #tpu.memory_space<vmem>>[vector<16xi32>], vector<16xf32>,
    %add3A_536 = arith.addi %sub3A_90, %mul3A_32 : i32
    %add3A_537 = arith.constant 288 : i32
    %add3A_538 = arith.addi %add3A_536, %add3A_537 : i32
    %get3A_539 = arith.index_cast %add3A_538 : i32 to index
    %get3A_540 = tpu.vector_load %arg8[%get3A_539] {strides = array<i32>} : memref<1040xf32, #tpu.memory_space<vmem>>, vector<16xf32>,
    %sub3A_541 = arith.subf %get3A_540, %broadcast_in_dim3A : vector<16xf32>
    %mul3A_542 = arith.mulf %div3A_114, %sub3A_541 : vector<16xf32>
    %add3A_543 = arith.addf %mul3A_542, %broadcast_in_dim3A_99 : vector<16xf32>
    %add3A_544 = arith.constant 288 : i32
    %add3A_545 = arith.addi %mul3A_32, %add3A_544 : i32
    %add3A_546 = vector.broadcast %add3A_545 : i32 to vector<16xi32>
    %add3A_547 = arith.addi %add3A_546, %iota3A : vector<16xi32>
    %lt3A_548 = vector.broadcast %squeeze3A_51 : i32 to vector<16xi32>
    %lt3A_549 = arith.cmpi slt, %add3A_547, %lt3A_548 : vector<16xi32>
    %jit3A_550 = arith.constant -9.990000e+02 : f32
    %broadcast_in_dim3A_551 = vector.broadcast %jit3A_550 : f32 to vector<16xf32>
    %select_n3A_552 = arith.select %lt3A_549, %add3A_543, %broadcast_in_dim3A_551 : vector<16xi1>, vector<16xf32>
    %add3A_553 = arith.constant 288 : i32
    %add3A_554 = vector.broadcast %add3A_553 : i32 to vector<16xi32>
    %add3A_555 = arith.addi %add3A_554, %iota3A : vector<16xi32>
    %mul3A_556 = arith.constant 64 : i32
    %mul3A_557 = vector.broadcast %mul3A_556 : i32 to vector<16xi32>
    %mul3A_558 = arith.muli %add3A_555, %mul3A_557 : vector<16xi32>
    tpu.vector_store_idx %arg7[%mul3A_558], %select_n3A_552 : memref<32768xf32, #tpu.memory_space<vmem>>[vector<16xi32>], vector<16xf32>,
    %add3A_559 = arith.addi %sub3A_90, %mul3A_32 : i32
    %add3A_560 = arith.constant 304 : i32
    %add3A_561 = arith.addi %add3A_559, %add3A_560 : i32
    %get3A_562 = arith.index_cast %add3A_561 : i32 to index
    %get3A_563 = tpu.vector_load %arg8[%get3A_562] {strides = array<i32>} : memref<1040xf32, #tpu.memory_space<vmem>>, vector<16xf32>,
    %sub3A_564 = arith.subf %get3A_563, %broadcast_in_dim3A : vector<16xf32>
    %mul3A_565 = arith.mulf %div3A_114, %sub3A_564 : vector<16xf32>
    %add3A_566 = arith.addf %mul3A_565, %broadcast_in_dim3A_99 : vector<16xf32>
    %add3A_567 = arith.constant 304 : i32
    %add3A_568 = arith.addi %mul3A_32, %add3A_567 : i32
    %add3A_569 = vector.broadcast %add3A_568 : i32 to vector<16xi32>
    %add3A_570 = arith.addi %add3A_569, %iota3A : vector<16xi32>
    %lt3A_571 = vector.broadcast %squeeze3A_51 : i32 to vector<16xi32>
    %lt3A_572 = arith.cmpi slt, %add3A_570, %lt3A_571 : vector<16xi32>
    %jit3A_573 = arith.constant -9.990000e+02 : f32
    %broadcast_in_dim3A_574 = vector.broadcast %jit3A_573 : f32 to vector<16xf32>
    %select_n3A_575 = arith.select %lt3A_572, %add3A_566, %broadcast_in_dim3A_574 : vector<16xi1>, vector<16xf32>
    %add3A_576 = arith.constant 304 : i32
    %add3A_577 = vector.broadcast %add3A_576 : i32 to vector<16xi32>
    %add3A_578 = arith.addi %add3A_577, %iota3A : vector<16xi32>
    %mul3A_579 = arith.constant 64 : i32
    %mul3A_580 = vector.broadcast %mul3A_579 : i32 to vector<16xi32>
    %mul3A_581 = arith.muli %add3A_578, %mul3A_580 : vector<16xi32>
    tpu.vector_store_idx %arg7[%mul3A_581], %select_n3A_575 : memref<32768xf32, #tpu.memory_space<vmem>>[vector<16xi32>], vector<16xf32>,
    %add3A_582 = arith.addi %sub3A_90, %mul3A_32 : i32
    %add3A_583 = arith.constant 320 : i32
    %add3A_584 = arith.addi %add3A_582, %add3A_583 : i32
    %get3A_585 = arith.index_cast %add3A_584 : i32 to index
    %get3A_586 = tpu.vector_load %arg8[%get3A_585] {strides = array<i32>} : memref<1040xf32, #tpu.memory_space<vmem>>, vector<16xf32>,
    %sub3A_587 = arith.subf %get3A_586, %broadcast_in_dim3A : vector<16xf32>
    %mul3A_588 = arith.mulf %div3A_114, %sub3A_587 : vector<16xf32>
    %add3A_589 = arith.addf %mul3A_588, %broadcast_in_dim3A_99 : vector<16xf32>
    %add3A_590 = arith.constant 320 : i32
    %add3A_591 = arith.addi %mul3A_32, %add3A_590 : i32
    %add3A_592 = vector.broadcast %add3A_591 : i32 to vector<16xi32>
    %add3A_593 = arith.addi %add3A_592, %iota3A : vector<16xi32>
    %lt3A_594 = vector.broadcast %squeeze3A_51 : i32 to vector<16xi32>
    %lt3A_595 = arith.cmpi slt, %add3A_593, %lt3A_594 : vector<16xi32>
    %jit3A_596 = arith.constant -9.990000e+02 : f32
    %broadcast_in_dim3A_597 = vector.broadcast %jit3A_596 : f32 to vector<16xf32>
    %select_n3A_598 = arith.select %lt3A_595, %add3A_589, %broadcast_in_dim3A_597 : vector<16xi1>, vector<16xf32>
    %add3A_599 = arith.constant 320 : i32
    %add3A_600 = vector.broadcast %add3A_599 : i32 to vector<16xi32>
    %add3A_601 = arith.addi %add3A_600, %iota3A : vector<16xi32>
    %mul3A_602 = arith.constant 64 : i32
    %mul3A_603 = vector.broadcast %mul3A_602 : i32 to vector<16xi32>
    %mul3A_604 = arith.muli %add3A_601, %mul3A_603 : vector<16xi32>
    tpu.vector_store_idx %arg7[%mul3A_604], %select_n3A_598 : memref<32768xf32, #tpu.memory_space<vmem>>[vector<16xi32>], vector<16xf32>,
    %add3A_605 = arith.addi %sub3A_90, %mul3A_32 : i32
    %add3A_606 = arith.constant 336 : i32
    %add3A_607 = arith.addi %add3A_605, %add3A_606 : i32
    %get3A_608 = arith.index_cast %add3A_607 : i32 to index
    %get3A_609 = tpu.vector_load %arg8[%get3A_608] {strides = array<i32>} : memref<1040xf32, #tpu.memory_space<vmem>>, vector<16xf32>,
    %sub3A_610 = arith.subf %get3A_609, %broadcast_in_dim3A : vector<16xf32>
    %mul3A_611 = arith.mulf %div3A_114, %sub3A_610 : vector<16xf32>
    %add3A_612 = arith.addf %mul3A_611, %broadcast_in_dim3A_99 : vector<16xf32>
    %add3A_613 = arith.constant 336 : i32
    %add3A_614 = arith.addi %mul3A_32, %add3A_613 : i32
    %add3A_615 = vector.broadcast %add3A_614 : i32 to vector<16xi32>
    %add3A_616 = arith.addi %add3A_615, %iota3A : vector<16xi32>
    %lt3A_617 = vector.broadcast %squeeze3A_51 : i32 to vector<16xi32>
    %lt3A_618 = arith.cmpi slt, %add3A_616, %lt3A_617 : vector<16xi32>
    %jit3A_619 = arith.constant -9.990000e+02 : f32
    %broadcast_in_dim3A_620 = vector.broadcast %jit3A_619 : f32 to vector<16xf32>
    %select_n3A_621 = arith.select %lt3A_618, %add3A_612, %broadcast_in_dim3A_620 : vector<16xi1>, vector<16xf32>
    %add3A_622 = arith.constant 336 : i32
    %add3A_623 = vector.broadcast %add3A_622 : i32 to vector<16xi32>
    %add3A_624 = arith.addi %add3A_623, %iota3A : vector<16xi32>
    %mul3A_625 = arith.constant 64 : i32
    %mul3A_626 = vector.broadcast %mul3A_625 : i32 to vector<16xi32>
    %mul3A_627 = arith.muli %add3A_624, %mul3A_626 : vector<16xi32>
    tpu.vector_store_idx %arg7[%mul3A_627], %select_n3A_621 : memref<32768xf32, #tpu.memory_space<vmem>>[vector<16xi32>], vector<16xf32>,
    %add3A_628 = arith.addi %sub3A_90, %mul3A_32 : i32
    %add3A_629 = arith.constant 352 : i32
    %add3A_630 = arith.addi %add3A_628, %add3A_629 : i32
    %get3A_631 = arith.index_cast %add3A_630 : i32 to index
    %get3A_632 = tpu.vector_load %arg8[%get3A_631] {strides = array<i32>} : memref<1040xf32, #tpu.memory_space<vmem>>, vector<16xf32>,
    %sub3A_633 = arith.subf %get3A_632, %broadcast_in_dim3A : vector<16xf32>
    %mul3A_634 = arith.mulf %div3A_114, %sub3A_633 : vector<16xf32>
    %add3A_635 = arith.addf %mul3A_634, %broadcast_in_dim3A_99 : vector<16xf32>
    %add3A_636 = arith.constant 352 : i32
    %add3A_637 = arith.addi %mul3A_32, %add3A_636 : i32
    %add3A_638 = vector.broadcast %add3A_637 : i32 to vector<16xi32>
    %add3A_639 = arith.addi %add3A_638, %iota3A : vector<16xi32>
    %lt3A_640 = vector.broadcast %squeeze3A_51 : i32 to vector<16xi32>
    %lt3A_641 = arith.cmpi slt, %add3A_639, %lt3A_640 : vector<16xi32>
    %jit3A_642 = arith.constant -9.990000e+02 : f32
    %broadcast_in_dim3A_643 = vector.broadcast %jit3A_642 : f32 to vector<16xf32>
    %select_n3A_644 = arith.select %lt3A_641, %add3A_635, %broadcast_in_dim3A_643 : vector<16xi1>, vector<16xf32>
    %add3A_645 = arith.constant 352 : i32
    %add3A_646 = vector.broadcast %add3A_645 : i32 to vector<16xi32>
    %add3A_647 = arith.addi %add3A_646, %iota3A : vector<16xi32>
    %mul3A_648 = arith.constant 64 : i32
    %mul3A_649 = vector.broadcast %mul3A_648 : i32 to vector<16xi32>
    %mul3A_650 = arith.muli %add3A_647, %mul3A_649 : vector<16xi32>
    tpu.vector_store_idx %arg7[%mul3A_650], %select_n3A_644 : memref<32768xf32, #tpu.memory_space<vmem>>[vector<16xi32>], vector<16xf32>,
    %add3A_651 = arith.addi %sub3A_90, %mul3A_32 : i32
    %add3A_652 = arith.constant 368 : i32
    %add3A_653 = arith.addi %add3A_651, %add3A_652 : i32
    %get3A_654 = arith.index_cast %add3A_653 : i32 to index
    %get3A_655 = tpu.vector_load %arg8[%get3A_654] {strides = array<i32>} : memref<1040xf32, #tpu.memory_space<vmem>>, vector<16xf32>,
    %sub3A_656 = arith.subf %get3A_655, %broadcast_in_dim3A : vector<16xf32>
    %mul3A_657 = arith.mulf %div3A_114, %sub3A_656 : vector<16xf32>
    %add3A_658 = arith.addf %mul3A_657, %broadcast_in_dim3A_99 : vector<16xf32>
    %add3A_659 = arith.constant 368 : i32
    %add3A_660 = arith.addi %mul3A_32, %add3A_659 : i32
    %add3A_661 = vector.broadcast %add3A_660 : i32 to vector<16xi32>
    %add3A_662 = arith.addi %add3A_661, %iota3A : vector<16xi32>
    %lt3A_663 = vector.broadcast %squeeze3A_51 : i32 to vector<16xi32>
    %lt3A_664 = arith.cmpi slt, %add3A_662, %lt3A_663 : vector<16xi32>
    %jit3A_665 = arith.constant -9.990000e+02 : f32
    %broadcast_in_dim3A_666 = vector.broadcast %jit3A_665 : f32 to vector<16xf32>
    %select_n3A_667 = arith.select %lt3A_664, %add3A_658, %broadcast_in_dim3A_666 : vector<16xi1>, vector<16xf32>
    %add3A_668 = arith.constant 368 : i32
    %add3A_669 = vector.broadcast %add3A_668 : i32 to vector<16xi32>
    %add3A_670 = arith.addi %add3A_669, %iota3A : vector<16xi32>
    %mul3A_671 = arith.constant 64 : i32
    %mul3A_672 = vector.broadcast %mul3A_671 : i32 to vector<16xi32>
    %mul3A_673 = arith.muli %add3A_670, %mul3A_672 : vector<16xi32>
    tpu.vector_store_idx %arg7[%mul3A_673], %select_n3A_667 : memref<32768xf32, #tpu.memory_space<vmem>>[vector<16xi32>], vector<16xf32>,
    %add3A_674 = arith.addi %sub3A_90, %mul3A_32 : i32
    %add3A_675 = arith.constant 384 : i32
    %add3A_676 = arith.addi %add3A_674, %add3A_675 : i32
    %get3A_677 = arith.index_cast %add3A_676 : i32 to index
    %get3A_678 = tpu.vector_load %arg8[%get3A_677] {strides = array<i32>} : memref<1040xf32, #tpu.memory_space<vmem>>, vector<16xf32>,
    %sub3A_679 = arith.subf %get3A_678, %broadcast_in_dim3A : vector<16xf32>
    %mul3A_680 = arith.mulf %div3A_114, %sub3A_679 : vector<16xf32>
    %add3A_681 = arith.addf %mul3A_680, %broadcast_in_dim3A_99 : vector<16xf32>
    %add3A_682 = arith.constant 384 : i32
    %add3A_683 = arith.addi %mul3A_32, %add3A_682 : i32
    %add3A_684 = vector.broadcast %add3A_683 : i32 to vector<16xi32>
    %add3A_685 = arith.addi %add3A_684, %iota3A : vector<16xi32>
    %lt3A_686 = vector.broadcast %squeeze3A_51 : i32 to vector<16xi32>
    %lt3A_687 = arith.cmpi slt, %add3A_685, %lt3A_686 : vector<16xi32>
    %jit3A_688 = arith.constant -9.990000e+02 : f32
    %broadcast_in_dim3A_689 = vector.broadcast %jit3A_688 : f32 to vector<16xf32>
    %select_n3A_690 = arith.select %lt3A_687, %add3A_681, %broadcast_in_dim3A_689 : vector<16xi1>, vector<16xf32>
    %add3A_691 = arith.constant 384 : i32
    %add3A_692 = vector.broadcast %add3A_691 : i32 to vector<16xi32>
    %add3A_693 = arith.addi %add3A_692, %iota3A : vector<16xi32>
    %mul3A_694 = arith.constant 64 : i32
    %mul3A_695 = vector.broadcast %mul3A_694 : i32 to vector<16xi32>
    %mul3A_696 = arith.muli %add3A_693, %mul3A_695 : vector<16xi32>
    tpu.vector_store_idx %arg7[%mul3A_696], %select_n3A_690 : memref<32768xf32, #tpu.memory_space<vmem>>[vector<16xi32>], vector<16xf32>,
    %add3A_697 = arith.addi %sub3A_90, %mul3A_32 : i32
    %add3A_698 = arith.constant 400 : i32
    %add3A_699 = arith.addi %add3A_697, %add3A_698 : i32
    %get3A_700 = arith.index_cast %add3A_699 : i32 to index
    %get3A_701 = tpu.vector_load %arg8[%get3A_700] {strides = array<i32>} : memref<1040xf32, #tpu.memory_space<vmem>>, vector<16xf32>,
    %sub3A_702 = arith.subf %get3A_701, %broadcast_in_dim3A : vector<16xf32>
    %mul3A_703 = arith.mulf %div3A_114, %sub3A_702 : vector<16xf32>
    %add3A_704 = arith.addf %mul3A_703, %broadcast_in_dim3A_99 : vector<16xf32>
    %add3A_705 = arith.constant 400 : i32
    %add3A_706 = arith.addi %mul3A_32, %add3A_705 : i32
    %add3A_707 = vector.broadcast %add3A_706 : i32 to vector<16xi32>
    %add3A_708 = arith.addi %add3A_707, %iota3A : vector<16xi32>
    %lt3A_709 = vector.broadcast %squeeze3A_51 : i32 to vector<16xi32>
    %lt3A_710 = arith.cmpi slt, %add3A_708, %lt3A_709 : vector<16xi32>
    %jit3A_711 = arith.constant -9.990000e+02 : f32
    %broadcast_in_dim3A_712 = vector.broadcast %jit3A_711 : f32 to vector<16xf32>
    %select_n3A_713 = arith.select %lt3A_710, %add3A_704, %broadcast_in_dim3A_712 : vector<16xi1>, vector<16xf32>
    %add3A_714 = arith.constant 400 : i32
    %add3A_715 = vector.broadcast %add3A_714 : i32 to vector<16xi32>
    %add3A_716 = arith.addi %add3A_715, %iota3A : vector<16xi32>
    %mul3A_717 = arith.constant 64 : i32
    %mul3A_718 = vector.broadcast %mul3A_717 : i32 to vector<16xi32>
    %mul3A_719 = arith.muli %add3A_716, %mul3A_718 : vector<16xi32>
    tpu.vector_store_idx %arg7[%mul3A_719], %select_n3A_713 : memref<32768xf32, #tpu.memory_space<vmem>>[vector<16xi32>], vector<16xf32>,
    %add3A_720 = arith.addi %sub3A_90, %mul3A_32 : i32
    %add3A_721 = arith.constant 416 : i32
    %add3A_722 = arith.addi %add3A_720, %add3A_721 : i32
    %get3A_723 = arith.index_cast %add3A_722 : i32 to index
    %get3A_724 = tpu.vector_load %arg8[%get3A_723] {strides = array<i32>} : memref<1040xf32, #tpu.memory_space<vmem>>, vector<16xf32>,
    %sub3A_725 = arith.subf %get3A_724, %broadcast_in_dim3A : vector<16xf32>
    %mul3A_726 = arith.mulf %div3A_114, %sub3A_725 : vector<16xf32>
    %add3A_727 = arith.addf %mul3A_726, %broadcast_in_dim3A_99 : vector<16xf32>
    %add3A_728 = arith.constant 416 : i32
    %add3A_729 = arith.addi %mul3A_32, %add3A_728 : i32
    %add3A_730 = vector.broadcast %add3A_729 : i32 to vector<16xi32>
    %add3A_731 = arith.addi %add3A_730, %iota3A : vector<16xi32>
    %lt3A_732 = vector.broadcast %squeeze3A_51 : i32 to vector<16xi32>
    %lt3A_733 = arith.cmpi slt, %add3A_731, %lt3A_732 : vector<16xi32>
    %jit3A_734 = arith.constant -9.990000e+02 : f32
    %broadcast_in_dim3A_735 = vector.broadcast %jit3A_734 : f32 to vector<16xf32>
    %select_n3A_736 = arith.select %lt3A_733, %add3A_727, %broadcast_in_dim3A_735 : vector<16xi1>, vector<16xf32>
    %add3A_737 = arith.constant 416 : i32
    %add3A_738 = vector.broadcast %add3A_737 : i32 to vector<16xi32>
    %add3A_739 = arith.addi %add3A_738, %iota3A : vector<16xi32>
    %mul3A_740 = arith.constant 64 : i32
    %mul3A_741 = vector.broadcast %mul3A_740 : i32 to vector<16xi32>
    %mul3A_742 = arith.muli %add3A_739, %mul3A_741 : vector<16xi32>
    tpu.vector_store_idx %arg7[%mul3A_742], %select_n3A_736 : memref<32768xf32, #tpu.memory_space<vmem>>[vector<16xi32>], vector<16xf32>,
    %add3A_743 = arith.addi %sub3A_90, %mul3A_32 : i32
    %add3A_744 = arith.constant 432 : i32
    %add3A_745 = arith.addi %add3A_743, %add3A_744 : i32
    %get3A_746 = arith.index_cast %add3A_745 : i32 to index
    %get3A_747 = tpu.vector_load %arg8[%get3A_746] {strides = array<i32>} : memref<1040xf32, #tpu.memory_space<vmem>>, vector<16xf32>,
    %sub3A_748 = arith.subf %get3A_747, %broadcast_in_dim3A : vector<16xf32>
    %mul3A_749 = arith.mulf %div3A_114, %sub3A_748 : vector<16xf32>
    %add3A_750 = arith.addf %mul3A_749, %broadcast_in_dim3A_99 : vector<16xf32>
    %add3A_751 = arith.constant 432 : i32
    %add3A_752 = arith.addi %mul3A_32, %add3A_751 : i32
    %add3A_753 = vector.broadcast %add3A_752 : i32 to vector<16xi32>
    %add3A_754 = arith.addi %add3A_753, %iota3A : vector<16xi32>
    %lt3A_755 = vector.broadcast %squeeze3A_51 : i32 to vector<16xi32>
    %lt3A_756 = arith.cmpi slt, %add3A_754, %lt3A_755 : vector<16xi32>
    %jit3A_757 = arith.constant -9.990000e+02 : f32
    %broadcast_in_dim3A_758 = vector.broadcast %jit3A_757 : f32 to vector<16xf32>
    %select_n3A_759 = arith.select %lt3A_756, %add3A_750, %broadcast_in_dim3A_758 : vector<16xi1>, vector<16xf32>
    %add3A_760 = arith.constant 432 : i32
    %add3A_761 = vector.broadcast %add3A_760 : i32 to vector<16xi32>
    %add3A_762 = arith.addi %add3A_761, %iota3A : vector<16xi32>
    %mul3A_763 = arith.constant 64 : i32
    %mul3A_764 = vector.broadcast %mul3A_763 : i32 to vector<16xi32>
    %mul3A_765 = arith.muli %add3A_762, %mul3A_764 : vector<16xi32>
    tpu.vector_store_idx %arg7[%mul3A_765], %select_n3A_759 : memref<32768xf32, #tpu.memory_space<vmem>>[vector<16xi32>], vector<16xf32>,
    %add3A_766 = arith.addi %sub3A_90, %mul3A_32 : i32
    %add3A_767 = arith.constant 448 : i32
    %add3A_768 = arith.addi %add3A_766, %add3A_767 : i32
    %get3A_769 = arith.index_cast %add3A_768 : i32 to index
    %get3A_770 = tpu.vector_load %arg8[%get3A_769] {strides = array<i32>} : memref<1040xf32, #tpu.memory_space<vmem>>, vector<16xf32>,
    %sub3A_771 = arith.subf %get3A_770, %broadcast_in_dim3A : vector<16xf32>
    %mul3A_772 = arith.mulf %div3A_114, %sub3A_771 : vector<16xf32>
    %add3A_773 = arith.addf %mul3A_772, %broadcast_in_dim3A_99 : vector<16xf32>
    %add3A_774 = arith.constant 448 : i32
    %add3A_775 = arith.addi %mul3A_32, %add3A_774 : i32
    %add3A_776 = vector.broadcast %add3A_775 : i32 to vector<16xi32>
    %add3A_777 = arith.addi %add3A_776, %iota3A : vector<16xi32>
    %lt3A_778 = vector.broadcast %squeeze3A_51 : i32 to vector<16xi32>
    %lt3A_779 = arith.cmpi slt, %add3A_777, %lt3A_778 : vector<16xi32>
    %jit3A_780 = arith.constant -9.990000e+02 : f32
    %broadcast_in_dim3A_781 = vector.broadcast %jit3A_780 : f32 to vector<16xf32>
    %select_n3A_782 = arith.select %lt3A_779, %add3A_773, %broadcast_in_dim3A_781 : vector<16xi1>, vector<16xf32>
    %add3A_783 = arith.constant 448 : i32
    %add3A_784 = vector.broadcast %add3A_783 : i32 to vector<16xi32>
    %add3A_785 = arith.addi %add3A_784, %iota3A : vector<16xi32>
    %mul3A_786 = arith.constant 64 : i32
    %mul3A_787 = vector.broadcast %mul3A_786 : i32 to vector<16xi32>
    %mul3A_788 = arith.muli %add3A_785, %mul3A_787 : vector<16xi32>
    tpu.vector_store_idx %arg7[%mul3A_788], %select_n3A_782 : memref<32768xf32, #tpu.memory_space<vmem>>[vector<16xi32>], vector<16xf32>,
    %add3A_789 = arith.addi %sub3A_90, %mul3A_32 : i32
    %add3A_790 = arith.constant 464 : i32
    %add3A_791 = arith.addi %add3A_789, %add3A_790 : i32
    %get3A_792 = arith.index_cast %add3A_791 : i32 to index
    %get3A_793 = tpu.vector_load %arg8[%get3A_792] {strides = array<i32>} : memref<1040xf32, #tpu.memory_space<vmem>>, vector<16xf32>,
    %sub3A_794 = arith.subf %get3A_793, %broadcast_in_dim3A : vector<16xf32>
    %mul3A_795 = arith.mulf %div3A_114, %sub3A_794 : vector<16xf32>
    %add3A_796 = arith.addf %mul3A_795, %broadcast_in_dim3A_99 : vector<16xf32>
    %add3A_797 = arith.constant 464 : i32
    %add3A_798 = arith.addi %mul3A_32, %add3A_797 : i32
    %add3A_799 = vector.broadcast %add3A_798 : i32 to vector<16xi32>
    %add3A_800 = arith.addi %add3A_799, %iota3A : vector<16xi32>
    %lt3A_801 = vector.broadcast %squeeze3A_51 : i32 to vector<16xi32>
    %lt3A_802 = arith.cmpi slt, %add3A_800, %lt3A_801 : vector<16xi32>
    %jit3A_803 = arith.constant -9.990000e+02 : f32
    %broadcast_in_dim3A_804 = vector.broadcast %jit3A_803 : f32 to vector<16xf32>
    %select_n3A_805 = arith.select %lt3A_802, %add3A_796, %broadcast_in_dim3A_804 : vector<16xi1>, vector<16xf32>
    %add3A_806 = arith.constant 464 : i32
    %add3A_807 = vector.broadcast %add3A_806 : i32 to vector<16xi32>
    %add3A_808 = arith.addi %add3A_807, %iota3A : vector<16xi32>
    %mul3A_809 = arith.constant 64 : i32
    %mul3A_810 = vector.broadcast %mul3A_809 : i32 to vector<16xi32>
    %mul3A_811 = arith.muli %add3A_808, %mul3A_810 : vector<16xi32>
    tpu.vector_store_idx %arg7[%mul3A_811], %select_n3A_805 : memref<32768xf32, #tpu.memory_space<vmem>>[vector<16xi32>], vector<16xf32>,
    %add3A_812 = arith.addi %sub3A_90, %mul3A_32 : i32
    %add3A_813 = arith.constant 480 : i32
    %add3A_814 = arith.addi %add3A_812, %add3A_813 : i32
    %get3A_815 = arith.index_cast %add3A_814 : i32 to index
    %get3A_816 = tpu.vector_load %arg8[%get3A_815] {strides = array<i32>} : memref<1040xf32, #tpu.memory_space<vmem>>, vector<16xf32>,
    %sub3A_817 = arith.subf %get3A_816, %broadcast_in_dim3A : vector<16xf32>
    %mul3A_818 = arith.mulf %div3A_114, %sub3A_817 : vector<16xf32>
    %add3A_819 = arith.addf %mul3A_818, %broadcast_in_dim3A_99 : vector<16xf32>
    %add3A_820 = arith.constant 480 : i32
    %add3A_821 = arith.addi %mul3A_32, %add3A_820 : i32
    %add3A_822 = vector.broadcast %add3A_821 : i32 to vector<16xi32>
    %add3A_823 = arith.addi %add3A_822, %iota3A : vector<16xi32>
    %lt3A_824 = vector.broadcast %squeeze3A_51 : i32 to vector<16xi32>
    %lt3A_825 = arith.cmpi slt, %add3A_823, %lt3A_824 : vector<16xi32>
    %jit3A_826 = arith.constant -9.990000e+02 : f32
    %broadcast_in_dim3A_827 = vector.broadcast %jit3A_826 : f32 to vector<16xf32>
    %select_n3A_828 = arith.select %lt3A_825, %add3A_819, %broadcast_in_dim3A_827 : vector<16xi1>, vector<16xf32>
    %add3A_829 = arith.constant 480 : i32
    %add3A_830 = vector.broadcast %add3A_829 : i32 to vector<16xi32>
    %add3A_831 = arith.addi %add3A_830, %iota3A : vector<16xi32>
    %mul3A_832 = arith.constant 64 : i32
    %mul3A_833 = vector.broadcast %mul3A_832 : i32 to vector<16xi32>
    %mul3A_834 = arith.muli %add3A_831, %mul3A_833 : vector<16xi32>
    tpu.vector_store_idx %arg7[%mul3A_834], %select_n3A_828 : memref<32768xf32, #tpu.memory_space<vmem>>[vector<16xi32>], vector<16xf32>,
    %add3A_835 = arith.addi %sub3A_90, %mul3A_32 : i32
    %add3A_836 = arith.constant 496 : i32
    %add3A_837 = arith.addi %add3A_835, %add3A_836 : i32
    %get3A_838 = arith.index_cast %add3A_837 : i32 to index
    %get3A_839 = tpu.vector_load %arg8[%get3A_838] {strides = array<i32>} : memref<1040xf32, #tpu.memory_space<vmem>>, vector<16xf32>,
    %sub3A_840 = arith.subf %get3A_839, %broadcast_in_dim3A : vector<16xf32>
    %mul3A_841 = arith.mulf %div3A_114, %sub3A_840 : vector<16xf32>
    %add3A_842 = arith.addf %mul3A_841, %broadcast_in_dim3A_99 : vector<16xf32>
    %add3A_843 = arith.constant 496 : i32
    %add3A_844 = arith.addi %mul3A_32, %add3A_843 : i32
    %add3A_845 = vector.broadcast %add3A_844 : i32 to vector<16xi32>
    %add3A_846 = arith.addi %add3A_845, %iota3A : vector<16xi32>
    %lt3A_847 = vector.broadcast %squeeze3A_51 : i32 to vector<16xi32>
    %lt3A_848 = arith.cmpi slt, %add3A_846, %lt3A_847 : vector<16xi32>
    %jit3A_849 = arith.constant -9.990000e+02 : f32
    %broadcast_in_dim3A_850 = vector.broadcast %jit3A_849 : f32 to vector<16xf32>
    %select_n3A_851 = arith.select %lt3A_848, %add3A_842, %broadcast_in_dim3A_850 : vector<16xi1>, vector<16xf32>
    %add3A_852 = arith.constant 496 : i32
    %add3A_853 = vector.broadcast %add3A_852 : i32 to vector<16xi32>
    %add3A_854 = arith.addi %add3A_853, %iota3A : vector<16xi32>
    %mul3A_855 = arith.constant 64 : i32
    %mul3A_856 = vector.broadcast %mul3A_855 : i32 to vector<16xi32>
    %mul3A_857 = arith.muli %add3A_854, %mul3A_856 : vector<16xi32>
    tpu.vector_store_idx %arg7[%mul3A_857], %select_n3A_851 : memref<32768xf32, #tpu.memory_space<vmem>>[vector<16xi32>], vector<16xf32>,
    %mul3A_858 = arith.constant 32768 : i32
    %mul3A_859 = arith.muli %add3A, %mul3A_858 : i32
    %dma_start3A_860 = tpu.memref_slice %arg6[%mul3A_859] : memref<1048576xf32, #tpu.memory_space<hbm>> -> memref<32768xf32, #tpu.memory_space<hbm>>
    %dma_start3A_861 = tpu.memref_slice %arg6[%mul3A_859] : memref<1048576xf32, #tpu.memory_space<hbm>> -> memref<32768xf32, #tpu.memory_space<hbm>>
    tpu.enqueue_dma source(%arg7 : memref<32768xf32, #tpu.memory_space<vmem>>) target(%dma_start3A_861 : memref<32768xf32, #tpu.memory_space<hbm>>) target_semaphore(%arg14 : memref<!tpu.dma_semaphore, #tpu.memory_space<semaphore_mem>>)
    %dma_wait3A_862 = tpu.memref_slice %arg6[%mul3A_859] : memref<1048576xf32, #tpu.memory_space<hbm>> -> memref<32768xf32, #tpu.memory_space<hbm>>
    %dma_wait3A_863 = tpu.memref_slice %arg6[%mul3A_859] : memref<1048576xf32, #tpu.memory_space<hbm>> -> memref<32768xf32, #tpu.memory_space<hbm>>
    tpu.wait_dma2 semaphore(%arg14 : memref<!tpu.dma_semaphore, #tpu.memory_space<semaphore_mem>>) src(%arg7 : memref<32768xf32, #tpu.memory_space<vmem>>) dst(%dma_wait3A_863 : memref<32768xf32, #tpu.memory_space<hbm>>)
    return
  }
}

</mosaic_0001>

<sc_bundles>
// kernel: _run.3.cloned.1.call-start
scs
__scs_entry_jumppad:
0x0: {  	(pc) =	sbr.rel $0x88, $3  }
0x1: {  	(tag) =	ssettag $0x0;
	lr =	simm.s32 $0x1  }
0x2: {  	[smem:$0x3F9D] =	sst lr;
	_ =	strace $0xD0000000  }
0x3: {  	_ = 	snop  }
0x4: {  	_ = 	snop  }
0x5: {  	_ = 	snop  }
0x6: {  	_ = 	snop  }
0x7: {  	_ = 	snop  }
__scs_overlays_trampoline_lowered:
0x8: {  	[smem:$0x3FAC] =	sst s0  }
0x9: {  	[smem:$0x3FAD] =	sst s1  }
0xa: {  	[smem:$0x3FAE] =	sst s2  }
0xb: {  	[smem:$0x3FAF] =	sst s3  }
0xc: {  	[smem:$0x3FB0] =	sst s4  }
0xd: {  	[smem:$0x3FB1] =	sst s5  }
0xe: {  	[smem:$0x3FB2] =	sst s6  }
0xf: {  	[smem:$0x3FB3] =	sst s7  }
0x10: {  	[smem:$0x3FB4] =	sst s8  }
0x11: {  	[smem:$0x3FB5] =	sst s9;
	s0 =	simm.s32 @!p0 $0x0  }
0x12: {  	s1 =	sld [smem:$0x3F9B];
	s0 =	simm.s32 @p0 $0x1  }
0x13: {  	[smem:$0x3FB6] =	sst s0;
	s0 =	simm.s32 @!p1 $0x0  }
0x14: {  	s2 =	sld [smem:$0x3F9A];
	s0 =	simm.s32 @p1 $0x1  }
0x15: {  	[smem:$0x3FB7] =	sst s0;
	s0 =	simm.s32 @!p2 $0x0  }
0x16: {  	s3 =	sld [smem:$0x3FDB];
	s0 =	simm.s32 @p2 $0x1  }
0x17: {  	s4 =	simm.s32 $0x1BF5;
	[smem:$0x3FB9] =	sst s0  }
0x18: {  	s0 =	sld [smem:$0x3F9C];
	_ =	swait.ge [sflag:s4], $0x0  }
0x19: {  	s7 =	sld [smem:$0x3F9D]  }
0x1a: {  	s8 =	sadd.s32 $0xFFFFE003, lr  }
0x1b: {  	s9 =	sadd.s32 $0xFFFFFEF7, lr;
	s5 =	simm.s32 $0xFFFFFFFF;
	p2 =	slt.u32 s8, $0xFFFFF086  }
0x1c: {  	p1 =	slt.u32 s9, $0xF7A;
	s5 =	simm.s32 @!p2 $0x0  }
0x1d: {  	s5 =	simm.s32 @p1 $0x1;
	p0 =	seq.s32 s7, s2  }
0x1e: {  	s7 =	smul.u32 @!p0 $0xF7A, s2;
	p2 =	seq.s32 @!p0 s5, $0x0  }
0x1f: {  	s9 =	smul.u32 $0xF7A, s1;
	s8 =	simm.s32 @!p0 $0x1BF5;
	p2 =	por !p2, p0  }
0x20: {  	[sflag:s8] =	ssyncset.s32 @!p0 $0xFFFFF086;
	s6 =	sadd.s32 @!p0 s3, s7;
	s7 =	simm.s32 @!p0 $0x108  }
0x21: {  	s3 =	sadd.s32 s3, s9;
	s6 =	sadd.s32 @!p0 $0x88, s6;
	s7 =	simm.s32 @p2 $0x1082  }
0x22: {  	[simem:s7], [sflag:s8] =	dma.local @!p0 [hbm:s6], $0xF7A  }
0x23: {  	s9 =	sor.u32 $0xD0000000, s2;
	s6 =	simm.s32 $0x108;
	_ =	swait.ge @!p0 [sflag:s8], $0x0  }
0x24: {  	s3 =	sadd.s32 $0x88, s3;
	s6 =	simm.s32 @!p1 $0x1082;
	[sflag:s4] =	ssyncset.s32 $0xFFFFF086  }
0x25: {  	[simem:s6], [sflag:s4] =	dma.local [hbm:s3], $0xF7A  }
0x26: {  	[smem:$0x3F9D] =	sst s1;
	(tag) =	ssettag s2;
	_ =	strace s9  }
0x27: {  	s1 =	sld [smem:$0x3FAD]  }
0x28: {  	s2 =	sld [smem:$0x3FAE]  }
0x29: {  	s4 =	sld [smem:$0x3FB0]  }
0x2a: {  	p0 =	seq.s32 s5, $0x0;
	s5 =	sld [smem:$0x3FB1]  }
0x2b: {  	s6 =	sld [smem:$0x3FB2]  }
0x2c: {  	s7 =	sld [smem:$0x3FB3]  }
0x2d: {  	s3 =	simm.s32 $0x108;
	s8 =	sld [smem:$0x3FB4]  }
0x2e: {  	s3 =	simm.s32 @!p0 $0x1082;
	s9 =	sld [smem:$0x3FB5]  }
0x2f: {  	lr =	sadd.s32 s0, s3;
	s0 =	sld [smem:$0x3FAC]  }
0x30: {  	s3 =	sld [smem:$0x3FAF]  }
0x31: {  	[smem:$0x3FB8] =	sst s10  }
0x32: {  	s10 =	sld [smem:$0x3FB6];
	_ =	sdelay $0x3  }
0x33: {  	p0 =	seq.s32 s10, $0x1;
	s10 =	sld [smem:$0x3FB8];
	_ =	sdelay $0x3  }
0x34: {  	[smem:$0x3FB8] =	sst s10  }
0x35: {  	s10 =	sld [smem:$0x3FB7];
	_ =	sdelay $0x3  }
0x36: {  	p1 =	seq.s32 s10, $0x1;
	s10 =	sld [smem:$0x3FB8];
	_ =	sdelay $0x3  }
0x37: {  	[smem:$0x3FB8] =	sst s10  }
0x38: {  	s10 =	sld [smem:$0x3FB9]  }
0x39: {  	_ = 	snop;
	(pc) =	sbr.ind lr, $3  }
0x3a: {  	_ = 	snop  }
0x3b: {  	_ = 	snop  }
0x3c: {  	p2 =	seq.s32 s10, $0x1;
	s10 =	sld [smem:$0x3FB8]  }
0x3d: {  	_ =	shalt  }
0x3e: {  	_ =	shalt  }
0x3f: {  	_ =	shalt  }
0x40: {  	_ =	shalt  }
0x41: {  	_ =	shalt  }
0x42: {  	_ =	shalt  }
0x43: {  	_ =	shalt  }
0x44: {  	_ =	shalt  }
0x45: {  	_ =	shalt  }
0x46: {  	_ =	shalt  }
0x47: {  	_ =	shalt  }
0x48: {  	_ =	shalt  }
0x49: {  	_ =	shalt  }
0x4a: {  	_ =	shalt  }
0x4b: {  	_ =	shalt  }
0x4c: {  	_ =	shalt  }
0x4d: {  	_ =	shalt  }
0x4e: {  	_ =	shalt  }
0x4f: {  	_ =	shalt  }
0x50: {  	_ =	shalt  }
0x51: {  	_ =	shalt  }
0x52: {  	_ =	shalt  }
0x53: {  	_ =	shalt  }
0x54: {  	_ =	shalt  }
0x55: {  	_ =	shalt  }
0x56: {  	_ =	shalt  }
0x57: {  	_ =	shalt  }
0x58: {  	_ =	shalt  }
0x59: {  	_ =	shalt  }
0x5a: {  	_ =	shalt  }
0x5b: {  	_ =	shalt  }
0x5c: {  	_ =	shalt  }
0x5d: {  	_ =	shalt  }
0x5e: {  	_ =	shalt  }
0x5f: {  	_ =	shalt  }
0x60: {  	_ =	shalt  }
0x61: {  	_ =	shalt  }
0x62: {  	_ =	shalt  }
0x63: {  	_ =	shalt  }
0x64: {  	_ =	shalt  }
0x65: {  	_ =	shalt  }
0x66: {  	_ =	shalt  }
0x67: {  	_ =	shalt  }
0x68: {  	_ =	shalt  }
0x69: {  	_ =	shalt  }
0x6a: {  	_ =	shalt  }
0x6b: {  	_ =	shalt  }
0x6c: {  	_ =	shalt  }
0x6d: {  	_ =	shalt  }
0x6e: {  	_ =	shalt  }
0x6f: {  	_ =	shalt  }
0x70: {  	_ =	shalt  }
0x71: {  	_ =	shalt  }
0x72: {  	_ =	shalt  }
0x73: {  	_ =	shalt  }
0x74: {  	_ =	shalt  }
0x75: {  	_ =	shalt  }
0x76: {  	_ =	shalt  }
0x77: {  	_ =	shalt  }
0x78: {  	_ =	shalt  }
0x79: {  	_ =	shalt  }
0x7a: {  	_ =	shalt  }
0x7b: {  	_ =	shalt  }
0x7c: {  	_ =	shalt  }
0x7d: {  	_ =	shalt  }
0x7e: {  	_ =	shalt  }
0x7f: {  	_ =	shalt  }
0x80: {  	_ =	shalt  }
0x81: {  	_ =	shalt  }
0x82: {  	_ =	shalt  }
0x83: {  	_ =	shalt  }
0x84: {  	_ =	shalt  }
0x85: {  	_ =	shalt  }
0x86: {  	_ =	shalt  }
0x87: {  	_ =	shalt  }
.Lfunc_end0:
.L_simem_size_0:
called_computation_lowered:
.L_overlay_start_0:
0x88: {  	s2 =	sld [smem:$0x3FD9]  }
0x89: {  	s3 =	sld [smem:$0x3FFE];
	_ =	sdelay $0x1  }
0x8a: {  	s1 =	srdreg.scid  }
0x8b: {  	s0 =	sand.u32 $0x1, s1  }
0x8c: {  	s17 =	sshll.u32 s0, $0xA;
	s2 =	sadd.s32 s3, s2  }
0x8d: {  	s2 =	sadd.s32 s2, s17  }
0x8e: {  	[smem:$0x3FC4] =	sst s2  }
0x8f: {  	_ = 	snop  }
0x90: {  	s2 =	sld [smem:$0x3FC7]  }
0x91: {  	s18 =	sld [smem:$0x3FC6]  }
0x92: {  	s4 =	sld [smem:$0x3FD0];
	(tm) =	ssettm $0x1  }
0x93: {  	s5 =	sld [smem:$0x3FFB];
	_ =	sdelay $0x3  }
0x94: {  	_ =	strace s5  }
0x95: {  	s5 =	sld [smem:$0x3FFC];
	_ =	sdelay $0x3  }
0x96: {  	_ =	strace s5  }
0x97: {  	s5 =	sld [smem:$0x3FFD];
	_ =	sdelay $0x3  }
0x98: {  	_ =	strace s5  }
0x99: {  	_ =	strace $0x8FFFFFFF  }
0x9a: {  	s19 =	sld [smem:$0x3FDB];
	_ =	sdelay $0x1  }
0x9b: {  	s6 =	simm.s32 $_scs_section_size  }
0x9c: {  	s7 =	simm.s32 $_size__tile_overlayer_lowered;
	s8 =	simm.s32 $_tile_overlayer_lowered  }
0x9d: {  	s22 =	simm.s32 $0x1BFF;
	s21 =	sshll.u32 s8, $0x1;
	s5 =	sadd.s32 s6, s19  }
0x9e: {  	s9 =	simm.s32 $0x0;
	s20 =	sshll.u32 s7, $0x1;
	s7 =	sadd.s32 s21, s5  }
0x9f: {  	[timem:s9], [sflag:s22] =	dma.local [hbm:s7], s20  }
0xa0: {  	_ =	swait.ge [sflag:s22], s20  }
0xa1: {  	s6 =	ssub.s32 $0x0, s20;
	[sflag:s22] =	ssyncset.done $0x0  }
0xa2: {  	[sflag:s22] =	ssyncadd.s32 s6;
	_ =	sdelay $0x1  }
0xa3: {  	s23 =	simm.s32 $0x1B8B  }
0xa4: {  	_ =	swait.ge [sflag:s23], $0x1  }
0xa5: {  	[sflag:s23] =	ssyncset.done $0x0  }
0xa6: {  	s25 =	simm.s32 $0x1B8E;
	s24 =	sld [smem:$0x3FFE];
	[sflag:s23] =	ssyncadd.s32 $0xFFFFFFFF  }
0xa7: {  	s26 =	simm.s32 $execute0_lowered;
	[smem:$0x3FD2] =	sst s25  }
0xa8: {  	s7 =	sshll.u32 s26, $0x1;
	_ =	strace $0x80000046;
	[dreg:$0x1] =	wrdreg $0xFFFFFFFF  }
0xa9: {  	s28 =	simm.s32 $_size_execute0_lowered;
	s5 =	sadd.s32 s5, s7;
	[dreg:$0x0] =	wrdreg $0x0  }
0xaa: {  	s7 =	sshll.u32 s28, $0x1;
	[dreg:$0x2] =	wrdreg s5  }
0xab: {  	[dreg:$0x3] =	wrdreg s7  }
0xac: {  	[dreg:$0x4] =	wrdreg $0xC0  }
0xad: {  	_ =	task [dreg:s9], $0x5FFFF  }
0xae: {  	[dreg:$0x1] =	wrdreg $0xFFFFFFFF  }
0xaf: {  	[dreg:$0x0] =	wrdreg $0x60  }
0xb0: {  	[dreg:$0x2] =	wrdreg s4  }
0xb1: {  	[dreg:$0x3] =	wrdreg s24  }
0xb2: {  	[dreg:$0x4] =	wrdreg s2  }
0xb3: {  	[dreg:$0x5] =	wrdreg s18  }
0xb4: {  	[dreg:$0x6] =	wrdreg $0x9  }
0xb5: {  	_ =	task.clear_ibuf [dreg:s9], $0x7FFFF;
	_ =	strace $0x90000046  }
0xb6: {  	s29 =	simm.s32 $0x9;
	_ =	strace $0x80000048  }
0xb7: {  	_ =	swait.ge [sflag:s29], $0x1  }
0xb8: {  	[sflag:s29] =	ssyncadd.s32 $0xFFFFFFFF  }
0xb9: {  	_ =	strace $0x90000048  }
0xba: {  	_ =	sfence  }
0xbb: {  	s30 =	sld [smem:$0x0];
	_ =	sdelay $0x2  }
0xbc: {  	s31 =	sshll.u32 s1, $0xD;
	s1 =	sshrl.u32 s1, $0x2  }
0xbd: {  	s3 =	sand.u32 $0x4000, s31;
	s1 =	sadd.s32 s1, s30  }
0xbe: {  	s0 =	sor.u32 s3, s0;
	s1 =	sshll.u32 s1, $0x11  }
0xbf: {  	s0 =	sor.u32 s1, s0  }
0xc0: {  	s0 =	sadd.s32 $0x8F2B, s0  }
0xc1: {  	[sflag:s0] =	ssyncadd.remote.s32 $0x1  }
0xc2: {  	_ =	sfence.sel $0xFFFF  }
0xc3: {  	[dreg:$0x0] =	wrdreg $0xFFFFFFFF;
	(pc) =	sbr.abs _section_cstart, $3  }
0xc4: {  	[dreg:$0x1] =	wrdreg $0xFFFFFFFF  }
0xc5: {  	_ =	task.clear_ibuf [dreg:s9], $0x2FFFF;
	_ =	strace $0x9FFFFFFF  }
0xc6: {  	(tm) =	ssettm $0x7FFFFFFF  }
0xc7: {  	_ =	shalt  }
tec
execute0_lowered:
.L_overlay_start_1:
0x0: {  	(tag) =	ssettag $0x1  }
0x1: {  	s1 =	rddreg [dreg:$0x0]  }
0x2: {  	s8 =	rddreg [dreg:$0x1]  }
0x3: {  	s3 =	rddreg [dreg:$0x2]  }
0x4: {  	s4 =	rddreg [dreg:$0x3]  }
0x5: {  	s5 =	srdreg.scid;
	s2 =	stileid.u32  }
0x6: {  	s0 =	rddreg [dreg:$0x4];
	s9 =	sand.u32 $0x1, s5;
	s6 =	sshll.u32 s2, $0x1  }
0x7: {  	v32 =	vlaneseq.u32;
	s5 =	simm.s32 $0x0;
	s10 =	sor.u32 s9, s6;
	s6 =	sshll.u32 s9, $0x9  }
0x8: {  	v28 =	vmul.u32 $0x40, v32;
	[smem:$0x7FF] =	sst s5;
	p1 =	seq.s32 s9, $0x1;
	s9 =	ssub.s32 $0x2, s9  }
0x9: {  	v33 =	vimm.f32 $-9.990000000e+02;
	p0 =	seq.s32 s10, $0x0;
	s7 =	sor.u32 $0x10, s6;
	s18 =	sor.u32 $0x20, s6  }
0xa: {  	v0 =	vor.u32 s6, v32;
	s11 =	sor.u32 $0x30, s6;
	s12 =	sor.u32 $0x40, s6;
	s19 =	sor.u32 $0x50, s6;
	v34 =	vor.u32 $0x400, v28;
	v35 =	vor.u32 $0x800, v28  }
0xb: {  	s20 =	sor.u32 $0x60, s6;
	s21 =	sor.u32 $0x70, s6;
	s22 =	sor.u32 $0x80, s6;
	v36 =	vor.u32 $0xC00, v28;
	v37 =	vor.u32 $0x1000, v28;
	v38 =	vor.u32 $0x1400, v28  }
0xc: {  	s23 =	sor.u32 $0x90, s6;
	s24 =	sor.u32 $0xA0, s6;
	s25 =	sor.u32 $0xB0, s6;
	v39 =	vor.u32 $0x1800, v28;
	v40 =	vor.u32 $0x1C00, v28;
	v41 =	vor.u32 $0x2000, v28  }
0xd: {  	s26 =	sor.u32 $0xC0, s6;
	s28 =	sor.u32 $0xD0, s6;
	s29 =	sor.u32 $0xE0, s6;
	v42 =	vor.u32 $0x2400, v28;
	v43 =	vor.u32 $0x2800, v28;
	v44 =	vor.u32 $0x2C00, v28  }
0xe: {  	s30 =	sor.u32 $0xF0, s6;
	s31 =	sor.u32 $0x100, s6;
	s13 =	sor.u32 $0x110, s6;
	v45 =	vor.u32 $0x3000, v28;
	v46 =	vor.u32 $0x3400, v28;
	v47 =	vor.u32 $0x3800, v28  }
0xf: {  	s14 =	sor.u32 $0x120, s6;
	s15 =	sor.u32 $0x130, s6;
	s16 =	sor.u32 $0x140, s6;
	v48 =	vor.u32 $0x3C00, v28;
	v49 =	vor.u32 $0x4000, v28;
	v50 =	vor.u32 $0x4400, v28  }
0x10: {  	s17 =	sor.u32 $0x150, s6;
	s10 =	sshll.u32 s10, $0xC;
	v51 =	vor.u32 $0x4800, v28;
	v52 =	vor.u32 $0x4C00, v28;
	v2 =	vor.u32 s18, v32;
	s18 =	sor.u32 $0x160, s6  }
0x11: {  	v5 =	vor.u32 s19, v32;
	v6 =	vor.u32 s20, v32;
	v7 =	vor.u32 s21, v32;
	s19 =	sor.u32 $0x170, s6;
	s20 =	sor.u32 $0x180, s6;
	s21 =	sor.u32 $0x190, s6  }
0x12: {  	v8 =	vor.u32 s22, v32;
	v9 =	vor.u32 s23, v32;
	v10 =	vor.u32 s24, v32;
	s22 =	sor.u32 $0x1A0, s6;
	s23 =	sor.u32 $0x1B0, s6;
	s24 =	sor.u32 $0x1C0, s6  }
0x13: {  	v53 =	vor.u32 $0x5000, v28;
	v11 =	vor.u32 s25, v32;
	v12 =	vor.u32 s26, v32;
	s25 =	sor.u32 $0x1D0, s6;
	s26 =	sor.u32 $0x1E0, s6;
	p0 =	por !p0, !p1  }
0x14: {  	v1 =	vor.u32 s7, v32;
	v4 =	vor.u32 s12, v32;
	v13 =	vor.u32 s28, v32;
	s28 =	sor.u32 $0x1F0, s6;
	s7 =	sadd.s32 $0x600, s8;
	s12 =	simm.s32 $0x1  }
0x15: {  	v54 =	vor.u32 $0x5400, v28;
	[tilespmem:$0x1FFF0] =	vst v0;
	v14 =	vor.u32 s29, v32;
	v18 =	vor.u32 s14, v32;
	s14 =	sadd.s32 s10, s8;
	s29 =	sshrl.u32 s9, $0x1;
	s10 =	simm.s32 $0x1  }
0x16: {  	v55 =	vor.u32 $0x5800, v28;
	v20 =	vor.u32 s16, v32;
	v21 =	vor.u32 s17, v32;
	s16 =	simm.s32 $0x8480;
	s17 =	simm.s32 $0x8500;
	_ =	strace $0x80000047  }
0x17: {  	v56 =	vor.u32 $0x5C00, v28;
	v57 =	vor.u32 $0x6000, v28;
	v19 =	vor.u32 s15, v32;
	p0 =	por !p0, !p0;
	s15 =	ssub.s32 s9, s29;
	s14 =	sadd.s32 $0x1600, s14  }
0x18: {  	v58 =	vmov s6;
	v22 =	vor.u32 s18, v32;
	v23 =	vor.u32 s19, v32;
	s18 =	simm.s32 $0x8000;
	s19 =	simm.s32 $0x8580;
	s12 =	simm.s32 @!p0 $0x0  }
0x19: {  	v3 =	vor.u32 s11, v32;
	v24 =	vor.u32 s20, v32;
	v25 =	vor.u32 s21, v32;
	s20 =	simm.s32 $0x8600;
	s21 =	simm.s32 $0x8680;
	s8 =	ssub.s32 s2, s12  }
0x1a: {  	v15 =	vor.u32 s30, v32;
	v17 =	vor.u32 s13, v32;
	v26 =	vor.u32 s22, v32;
	s22 =	simm.s32 $0x0;
	s9 =	sshll.u32 s8, $0xB;
	s13 =	sshll.u32 s8, $0x10  }
0x1b: {  	v16 =	vor.u32 s31, v32;
	v27 =	vor.u32 s23, v32;
	v29 =	vor.u32 s24, v32;
	s15 =	smax.u32 s15, $0x1;
	s30 =	sshrl.u32 s9, $0x3;
	s31 =	sshrl.u32 s13, $0x3  }
0x1c: {  	v30 =	vor.u32 s25, v32;
	v31 =	vor.u32 s26, v32;
	v32 =	vor.u32 s28, v32;
	s13 =	sadd.s32 $0xFFFFFFC0, s13;
	s11 =	sadd.s32 s7, s30;
	s12 =	sadd.s32 s1, s31  }
.LBB2_1:
0x1d: {  	[tilespmem:s16], [sflag:$0x1] =	stream.linear.gather [hbm4b:s3+s5], $0x10, $0x38;
	[tilespmem:$0x8700] =	vst v63  }
0x1e: {  	_ =	swait.ge [sflag:s10], $0x10  }
0x1f: {  	[sflag:s10] =	ssyncset.done $0x0  }
0x20: {  	[sflag:s10] =	ssyncadd.s32 $0xFFFFFFF0  }
0x21: {  	[tilespmem:s17], [sflag:$0x1] =	stream.linear.gather [hbm4b:s4+s5], $0x10, $0x38;
	[tilespmem:$0x8700] =	vst v63  }
0x22: {  	_ =	swait.ge [sflag:s10], $0x10  }
0x23: {  	[sflag:s10] =	ssyncset.done $0x0  }
0x24: {  	[sflag:s10] =	ssyncadd.s32 $0xFFFFFFF0  }
0x25: {  	v59 =	vld [tilespmem:s8+$0x8480];
	_ =	sdelay $0x4  }
0x26: {  	(v2sf) =	vpush v59, $0x0;
	_ =	sdelay $0xe  }
0x27: {  	s23 =	spop (v2sf)  }
0x28: {  	s24 =	sand.u32 $0xFFFFFFF8, s23  }
0x29: {  	s24 =	sadd.s32 $0xFFFFFFF8, s24  }
0x2a: {  	p0 =	slt.s32 s24, $0x3F0  }
0x2b: {  	s24 =	simm.s32 @!p0 $0x3F0  }
0x2c: {  	s25 =	sadd.s32 s9, s24  }
0x2d: {  	s25 =	sshrl.u32 s25, $0x3  }
0x2e: {  	s25 =	sadd.s32 s7, s25  }
0x2f: {  	v62 =	vld [tilespmem:s8+$0x8500];
	[tilespmem:s18], [sflag:$0x1] =	stream.linear.gather [hbm4b:s25+s5], $0x410, $0x38  }
0x30: {  	_ =	swait.ge [sflag:s10], $0x410  }
0x31: {  	[sflag:s10] =	ssyncset.done $0x0  }
0x32: {  	[sflag:s10] =	ssyncadd.s32 $0xFFFFFBF0  }
0x33: {  	[tilespmem:s19], [sflag:$0x1] =	stream.linear.gather [hbm4b:s11+s5], $0x10, $0x38;
	[tilespmem:$0x8700] =	vst v63  }
0x34: {  	_ =	swait.ge [sflag:s10], $0x10  }
0x35: {  	[sflag:s10] =	ssyncset.done $0x0  }
0x36: {  	s31 =	sshll.u32 s23, $0x6;
	[sflag:s10] =	ssyncadd.s32 $0xFFFFFFF0  }
0x37: {  	[tilespmem:s20], [sflag:$0x1] =	stream.linear.gather [hbm4b:s12+s5], $0x10, $0x38;
	[tilespmem:$0x8700] =	vst v63  }
0x38: {  	s25 =	sadd.s32 s31, s13;
	_ =	swait.ge [sflag:s10], $0x10  }
0x39: {  	s25 =	sshrl.u32 s25, $0x3;
	[sflag:s10] =	ssyncset.done $0x0  }
0x3a: {  	s25 =	sadd.s32 s1, s25;
	[sflag:s10] =	ssyncadd.s32 $0xFFFFFFF0  }
0x3b: {  	[tilespmem:s21], [sflag:$0x1] =	stream.linear.gather [hbm4b:s25+s5], $0x10, $0x38;
	[tilespmem:$0x8700] =	vst v63  }
0x3c: {  	_ =	swait.ge [sflag:s10], $0x10  }
0x3d: {  	[sflag:s10] =	ssyncset.done $0x0  }
0x3e: {  	[sflag:s10] =	ssyncadd.s32 $0xFFFFFFF0  }
0x3f: {  	v59 =	vld [tilespmem:$0x8580]  }
0x40: {  	v60 =	vld [tilespmem:$0x8600]  }
0x41: {  	s23 =	ssub.s32 s23, s24;
	v61 =	vld [tilespmem:$0x8680]  }
0x42: {  	s24 =	simm.s32 $0x0;
	s25 =	simm.s32 $0x400;
	v63 =	vld [tilespmem:s23+$0x7FFF]  }
.LBB2_2:
0x43: {  	p0 =	sne.s32 s25, $0x1FC00;
	[tilespmem:s24+$0xF0] =	vst v33  }
0x44: {  	[tilespmem:s24+$0x0] =	vst v33  }
0x45: {  	[tilespmem:s24+$0x10] =	vst v33  }
0x46: {  	[tilespmem:s24+$0x20] =	vst v33  }
0x47: {  	[tilespmem:s24+$0x30] =	vst v33  }
0x48: {  	[tilespmem:s24+$0x40] =	vst v33  }
0x49: {  	[tilespmem:s24+$0x50] =	vst v33  }
0x4a: {  	[tilespmem:s24+$0x60] =	vst v33  }
0x4b: {  	[tilespmem:s24+$0x70] =	vst v33  }
0x4c: {  	[tilespmem:s24+$0x80] =	vst v33  }
0x4d: {  	[tilespmem:s24+$0x90] =	vst v33  }
.Ltmp0:
0x4e: {  	[tilespmem:s24+$0xA0] =	vst v33;
	(pc) =	sbr.rel @p0 .LBB2_2-.Ltmp0, $4  }
0x4f: {  	[tilespmem:s24+$0xB0] =	vst v33  }
0x50: {  	[tilespmem:s24+$0xC0] =	vst v33  }
0x51: {  	[tilespmem:s24+$0xD0] =	vst v33  }
0x52: {  	[tilespmem:s24+$0xE0] =	vst v33;
	s24 =	sshra.s32 s25, $0x2;
	s25 =	sadd.s32 $0x400, s25  }
0x53: {  	[tilespmem:s24+$0xF0] =	vst v33  }
0x54: {  	[tilespmem:s24+$0x0] =	vst v33  }
0x55: {  	[tilespmem:s24+$0x10] =	vst v33  }
0x56: {  	[tilespmem:s24+$0x20] =	vst v33  }
0x57: {  	[tilespmem:s24+$0x30] =	vst v33  }
0x58: {  	[tilespmem:s24+$0x40] =	vst v33  }
0x59: {  	[tilespmem:s24+$0x50] =	vst v33  }
0x5a: {  	[tilespmem:s24+$0x60] =	vst v33;
	v63 =	vsub.f32 v63, v59  }
0x5b: {  	[tilespmem:s24+$0x70] =	vst v33  }
0x5c: {  	[tilespmem:s24+$0x80] =	vst v33;
	v63 =	vbroadcast v63, $0x0  }
0x5d: {  	[tilespmem:s24+$0x90] =	vst v33  }
0x5e: {  	[tilespmem:s24+$0xA0] =	vst v33;
	(erf) = vrcp.f32 v63  }
0x5f: {  	[tilespmem:s24+$0xB0] =	vst v33  }
0x60: {  	[tilespmem:s24+$0xC0] =	vst v33  }
0x61: {  	[tilespmem:s24+$0xD0] =	vst v33  }
0x62: {  	[tilespmem:s24+$0xE0] =	vst v33  }
0x63: {  	v63 =	vld.idx.msk [tilespmem:v58+s23+$0x8000 ss:$0x1], $0xffff  }
0x64: {  	v61 =	vsub.f32 v61, v60;
	_ =	sdelay $0x1  }
0x65: {  	v59 =	vbroadcast v59, $0x0;
	v61 =	vbroadcast v61, $0x0  }
0x66: {  	v0 =	vpop (erf)  }
0x67: {  	v61 =	vmul.f32 v0, v61;
	v0 =	vsub.f32 v63, v59;
	v63 =	vld [tilespmem:$0x1FFF0];
	_ =	sdelay $0x1  }
0x68: {  	v60 =	vbroadcast v60, $0x0;
	v0 =	vmul.f32 v0, v61  }
0x69: {  	v62 =	vbroadcast v62, $0x0  }
0x6a: {  	v0 =	vadd.f32 v0, v60  }
0x6b: {  	vm0 =	vlt.s32 v63, v62  }
0x6c: {  	v0 =	vnsel vm0, $0xC479C000, v0  }
0x6d: {  	[tilespmem:v28+s5+$0x0] =	vst.idx.msk $0xffff, v0  }
0x6e: {  	v0 =	vld.idx.msk [tilespmem:v58+s23+$0x8010 ss:$0x1], $0xffff;
	_ =	sdelay $0x4  }
0x6f: {  	v0 =	vsub.f32 v0, v59;
	_ =	sdelay $0x1  }
0x70: {  	v0 =	vmul.f32 v0, v61;
	_ =	sdelay $0x1  }
0x71: {  	v0 =	vadd.f32 v0, v60  }
0x72: {  	vm9 =	vlt.s32 v1, v62  }
0x73: {  	v0 =	vnsel vm9, $0xC479C000, v0  }
0x74: {  	[tilespmem:v34+s5+$0x0] =	vst.idx.msk $0xffff, v0  }
0x75: {  	v0 =	vld.idx.msk [tilespmem:v58+s23+$0x8020 ss:$0x1], $0xffff;
	_ =	sdelay $0x4  }
0x76: {  	v0 =	vsub.f32 v0, v59;
	_ =	sdelay $0x1  }
0x77: {  	v0 =	vmul.f32 v0, v61;
	_ =	sdelay $0x1  }
0x78: {  	v0 =	vadd.f32 v0, v60  }
0x79: {  	vm10 =	vlt.s32 v2, v62  }
0x7a: {  	v0 =	vnsel vm10, $0xC479C000, v0  }
0x7b: {  	[tilespmem:v35+s5+$0x0] =	vst.idx.msk $0xffff, v0  }
0x7c: {  	v0 =	vld.idx.msk [tilespmem:v58+s23+$0x8030 ss:$0x1], $0xffff;
	_ =	sdelay $0x4  }
0x7d: {  	v0 =	vsub.f32 v0, v59;
	_ =	sdelay $0x1  }
0x7e: {  	v0 =	vmul.f32 v0, v61;
	_ =	sdelay $0x1  }
0x7f: {  	v0 =	vadd.f32 v0, v60  }
0x80: {  	vm11 =	vlt.s32 v3, v62  }
0x81: {  	v0 =	vnsel vm11, $0xC479C000, v0  }
0x82: {  	[tilespmem:v36+s5+$0x0] =	vst.idx.msk $0xffff, v0  }
0x83: {  	v0 =	vld.idx.msk [tilespmem:v58+s23+$0x8040 ss:$0x1], $0xffff;
	_ =	sdelay $0x4  }
0x84: {  	v0 =	vsub.f32 v0, v59;
	_ =	sdelay $0x1  }
0x85: {  	v0 =	vmul.f32 v0, v61;
	_ =	sdelay $0x1  }
0x86: {  	v0 =	vadd.f32 v0, v60  }
0x87: {  	vm12 =	vlt.s32 v4, v62  }
0x88: {  	v0 =	vnsel vm12, $0xC479C000, v0  }
0x89: {  	[tilespmem:v37+s5+$0x0] =	vst.idx.msk $0xffff, v0  }
0x8a: {  	v0 =	vld.idx.msk [tilespmem:v58+s23+$0x8050 ss:$0x1], $0xffff;
	_ =	sdelay $0x4  }
0x8b: {  	v0 =	vsub.f32 v0, v59;
	_ =	sdelay $0x1  }
0x8c: {  	v0 =	vmul.f32 v0, v61;
	_ =	sdelay $0x1  }
0x8d: {  	v0 =	vadd.f32 v0, v60  }
0x8e: {  	vm13 =	vlt.s32 v5, v62  }
0x8f: {  	v0 =	vnsel vm13, $0xC479C000, v0  }
0x90: {  	[tilespmem:v38+s5+$0x0] =	vst.idx.msk $0xffff, v0  }
0x91: {  	v0 =	vld.idx.msk [tilespmem:v58+s23+$0x8060 ss:$0x1], $0xffff;
	_ =	sdelay $0x4  }
0x92: {  	v0 =	vsub.f32 v0, v59;
	_ =	sdelay $0x1  }
0x93: {  	v0 =	vmul.f32 v0, v61;
	_ =	sdelay $0x1  }
0x94: {  	v0 =	vadd.f32 v0, v60  }
0x95: {  	vm14 =	vlt.s32 v6, v62  }
0x96: {  	v0 =	vnsel vm14, $0xC479C000, v0  }
0x97: {  	[tilespmem:v39+s5+$0x0] =	vst.idx.msk $0xffff, v0  }
0x98: {  	v0 =	vld.idx.msk [tilespmem:v58+s23+$0x8070 ss:$0x1], $0xffff;
	_ =	sdelay $0x4  }
0x99: {  	v0 =	vsub.f32 v0, v59;
	_ =	sdelay $0x1  }
0x9a: {  	v0 =	vmul.f32 v0, v61;
	_ =	sdelay $0x1  }
0x9b: {  	v0 =	vadd.f32 v0, v60  }
0x9c: {  	s31 =	sadd.s32 s6, s23;
	vm15 =	vlt.s32 v7, v62  }
0x9d: {  	s25 =	sand.u32 $0x7F, s23;
	s24 =	sand.u32 $0xFFFFFF80, s31;
	v0 =	vnsel vm15, $0xC479C000, v0  }
0x9e: {  	s24 =	sor.u32 s25, s24;
	[tilespmem:v40+s5+$0x0] =	vst.idx.msk $0xffff, v0  }
0x9f: {  	v0 =	vld [tilespmem:s24+$0x8080];
	_ =	sdelay $0x4  }
0xa0: {  	v0 =	vsub.f32 v0, v59;
	_ =	sdelay $0x1  }
0xa1: {  	v0 =	vmul.f32 v0, v61;
	_ =	sdelay $0x1  }
0xa2: {  	v0 =	vadd.f32 v0, v60  }
0xa3: {  	vm4 =	vlt.s32 v8, v62  }
0xa4: {  	v0 =	vnsel vm4, $0xC479C000, v0  }
0xa5: {  	[tilespmem:v41+s5+$0x0] =	vst.idx.msk $0xffff, v0  }
0xa6: {  	v0 =	vld.idx.msk [tilespmem:v58+s23+$0x8090 ss:$0x1], $0xffff;
	_ =	sdelay $0x4  }
0xa7: {  	v0 =	vsub.f32 v0, v59;
	_ =	sdelay $0x1  }
0xa8: {  	v0 =	vmul.f32 v0, v61;
	_ =	sdelay $0x1  }
0xa9: {  	v0 =	vadd.f32 v0, v60  }
0xaa: {  	vm5 =	vlt.s32 v9, v62  }
0xab: {  	v0 =	vnsel vm5, $0xC479C000, v0  }
0xac: {  	[tilespmem:v42+s5+$0x0] =	vst.idx.msk $0xffff, v0  }
0xad: {  	v0 =	vld.idx.msk [tilespmem:v58+s23+$0x80A0 ss:$0x1], $0xffff;
	_ =	sdelay $0x4  }
0xae: {  	v0 =	vsub.f32 v0, v59;
	_ =	sdelay $0x1  }
0xaf: {  	v0 =	vmul.f32 v0, v61;
	_ =	sdelay $0x1  }
0xb0: {  	v0 =	vadd.f32 v0, v60  }
0xb1: {  	vm6 =	vlt.s32 v10, v62  }
0xb2: {  	v0 =	vnsel vm6, $0xC479C000, v0  }
0xb3: {  	[tilespmem:v43+s5+$0x0] =	vst.idx.msk $0xffff, v0  }
0xb4: {  	v0 =	vld.idx.msk [tilespmem:v58+s23+$0x80B0 ss:$0x1], $0xffff;
	_ =	sdelay $0x4  }
0xb5: {  	v0 =	vsub.f32 v0, v59;
	_ =	sdelay $0x1  }
0xb6: {  	v0 =	vmul.f32 v0, v61;
	_ =	sdelay $0x1  }
0xb7: {  	v0 =	vadd.f32 v0, v60  }
0xb8: {  	vm7 =	vlt.s32 v11, v62  }
0xb9: {  	v0 =	vnsel vm7, $0xC479C000, v0  }
0xba: {  	[tilespmem:v44+s5+$0x0] =	vst.idx.msk $0xffff, v0  }
0xbb: {  	v0 =	vld.idx.msk [tilespmem:v58+s23+$0x80C0 ss:$0x1], $0xffff;
	_ =	sdelay $0x4  }
0xbc: {  	v0 =	vsub.f32 v0, v59;
	_ =	sdelay $0x1  }
0xbd: {  	v0 =	vmul.f32 v0, v61;
	_ =	sdelay $0x1  }
0xbe: {  	v0 =	vadd.f32 v0, v60  }
0xbf: {  	vm8 =	vlt.s32 v12, v62  }
0xc0: {  	v0 =	vnsel vm8, $0xC479C000, v0  }
0xc1: {  	[tilespmem:v45+s5+$0x0] =	vst.idx.msk $0xffff, v0  }
0xc2: {  	v0 =	vld.idx.msk [tilespmem:v58+s23+$0x80D0 ss:$0x1], $0xffff;
	_ =	sdelay $0x4  }
0xc3: {  	v0 =	vsub.f32 v0, v59;
	_ =	sdelay $0x1  }
0xc4: {  	v0 =	vmul.f32 v0, v61;
	_ =	sdelay $0x1  }
0xc5: {  	v0 =	vadd.f32 v0, v60  }
0xc6: {  	vm9 =	vlt.s32 v13, v62  }
0xc7: {  	v0 =	vnsel vm9, $0xC479C000, v0  }
0xc8: {  	[tilespmem:v46+s5+$0x0] =	vst.idx.msk $0xffff, v0  }
0xc9: {  	v0 =	vld.idx.msk [tilespmem:v58+s23+$0x80E0 ss:$0x1], $0xffff;
	_ =	sdelay $0x4  }
0xca: {  	v0 =	vsub.f32 v0, v59;
	_ =	sdelay $0x1  }
0xcb: {  	v0 =	vmul.f32 v0, v61;
	_ =	sdelay $0x1  }
0xcc: {  	v0 =	vadd.f32 v0, v60  }
0xcd: {  	vm10 =	vlt.s32 v14, v62  }
0xce: {  	v0 =	vnsel vm10, $0xC479C000, v0  }
0xcf: {  	[tilespmem:v47+s5+$0x0] =	vst.idx.msk $0xffff, v0  }
0xd0: {  	v0 =	vld.idx.msk [tilespmem:v58+s23+$0x80F0 ss:$0x1], $0xffff;
	_ =	sdelay $0x4  }
0xd1: {  	v0 =	vsub.f32 v0, v59;
	_ =	sdelay $0x1  }
0xd2: {  	v0 =	vmul.f32 v0, v61;
	_ =	sdelay $0x1  }
0xd3: {  	v0 =	vadd.f32 v0, v60  }
0xd4: {  	vm11 =	vlt.s32 v15, v62  }
0xd5: {  	v0 =	vnsel vm11, $0xC479C000, v0  }
0xd6: {  	[tilespmem:v48+s5+$0x0] =	vst.idx.msk $0xffff, v0  }
0xd7: {  	v0 =	vld [tilespmem:s24+$0x8100];
	_ =	sdelay $0x4  }
0xd8: {  	v0 =	vsub.f32 v0, v59;
	_ =	sdelay $0x1  }
0xd9: {  	v0 =	vmul.f32 v0, v61;
	_ =	sdelay $0x1  }
0xda: {  	v0 =	vadd.f32 v0, v60  }
0xdb: {  	vm12 =	vlt.s32 v16, v62  }
0xdc: {  	v0 =	vnsel vm12, $0xC479C000, v0  }
0xdd: {  	[tilespmem:v49+s5+$0x0] =	vst.idx.msk $0xffff, v0  }
0xde: {  	v0 =	vld.idx.msk [tilespmem:v58+s23+$0x8110 ss:$0x1], $0xffff;
	_ =	sdelay $0x4  }
0xdf: {  	v0 =	vsub.f32 v0, v59;
	_ =	sdelay $0x1  }
0xe0: {  	v0 =	vmul.f32 v0, v61;
	_ =	sdelay $0x1  }
0xe1: {  	v0 =	vadd.f32 v0, v60  }
0xe2: {  	vm13 =	vlt.s32 v17, v62  }
0xe3: {  	v0 =	vnsel vm13, $0xC479C000, v0  }
0xe4: {  	[tilespmem:v50+s5+$0x0] =	vst.idx.msk $0xffff, v0  }
0xe5: {  	v0 =	vld.idx.msk [tilespmem:v58+s23+$0x8120 ss:$0x1], $0xffff;
	_ =	sdelay $0x4  }
0xe6: {  	v0 =	vsub.f32 v0, v59;
	_ =	sdelay $0x1  }
0xe7: {  	v0 =	vmul.f32 v0, v61;
	_ =	sdelay $0x1  }
0xe8: {  	v0 =	vadd.f32 v0, v60  }
0xe9: {  	vm14 =	vlt.s32 v18, v62  }
0xea: {  	v0 =	vnsel vm14, $0xC479C000, v0  }
0xeb: {  	[tilespmem:v51+s5+$0x0] =	vst.idx.msk $0xffff, v0  }
0xec: {  	v0 =	vld.idx.msk [tilespmem:v58+s23+$0x8130 ss:$0x1], $0xffff;
	_ =	sdelay $0x4  }
0xed: {  	v0 =	vsub.f32 v0, v59;
	_ =	sdelay $0x1  }
0xee: {  	v0 =	vmul.f32 v0, v61;
	_ =	sdelay $0x1  }
0xef: {  	v0 =	vadd.f32 v0, v60  }
0xf0: {  	vm15 =	vlt.s32 v19, v62  }
0xf1: {  	v0 =	vnsel vm15, $0xC479C000, v0  }
0xf2: {  	[tilespmem:v52+s5+$0x0] =	vst.idx.msk $0xffff, v0  }
0xf3: {  	v0 =	vld.idx.msk [tilespmem:v58+s23+$0x8140 ss:$0x1], $0xffff;
	_ =	sdelay $0x4  }
0xf4: {  	v0 =	vsub.f32 v0, v59;
	_ =	sdelay $0x1  }
0xf5: {  	v0 =	vmul.f32 v0, v61;
	_ =	sdelay $0x1  }
0xf6: {  	v0 =	vadd.f32 v0, v60  }
0xf7: {  	vm4 =	vlt.s32 v20, v62  }
0xf8: {  	v0 =	vnsel vm4, $0xC479C000, v0  }
0xf9: {  	[tilespmem:v53+s5+$0x0] =	vst.idx.msk $0xffff, v0  }
0xfa: {  	v0 =	vld.idx.msk [tilespmem:v58+s23+$0x8150 ss:$0x1], $0xffff;
	_ =	sdelay $0x4  }
0xfb: {  	v0 =	vsub.f32 v0, v59;
	_ =	sdelay $0x1  }
0xfc: {  	v0 =	vmul.f32 v0, v61;
	_ =	sdelay $0x1  }
0xfd: {  	v0 =	vadd.f32 v0, v60  }
0xfe: {  	vm5 =	vlt.s32 v21, v62  }
0xff: {  	v0 =	vnsel vm5, $0xC479C000, v0  }
0x100: {  	[tilespmem:v54+s5+$0x0] =	vst.idx.msk $0xffff, v0  }
0x101: {  	v0 =	vld.idx.msk [tilespmem:v58+s23+$0x8160 ss:$0x1], $0xffff;
	_ =	sdelay $0x4  }
0x102: {  	v0 =	vsub.f32 v0, v59;
	_ =	sdelay $0x1  }
0x103: {  	v0 =	vmul.f32 v0, v61;
	_ =	sdelay $0x1  }
0x104: {  	v0 =	vadd.f32 v0, v60  }
0x105: {  	vm6 =	vlt.s32 v22, v62  }
0x106: {  	v0 =	vnsel vm6, $0xC479C000, v0  }
0x107: {  	[tilespmem:v55+s5+$0x0] =	vst.idx.msk $0xffff, v0  }
0x108: {  	v0 =	vld.idx.msk [tilespmem:v58+s23+$0x8170 ss:$0x1], $0xffff;
	_ =	sdelay $0x4  }
0x109: {  	v0 =	vsub.f32 v0, v59;
	_ =	sdelay $0x1  }
0x10a: {  	v0 =	vmul.f32 v0, v61;
	_ =	sdelay $0x1  }
0x10b: {  	v0 =	vadd.f32 v0, v60  }
0x10c: {  	vm7 =	vlt.s32 v23, v62  }
0x10d: {  	v0 =	vnsel vm7, $0xC479C000, v0  }
0x10e: {  	[tilespmem:v56+s5+$0x0] =	vst.idx.msk $0xffff, v0  }
0x10f: {  	v0 =	vld [tilespmem:s24+$0x8180];
	_ =	sdelay $0x4  }
0x110: {  	v0 =	vsub.f32 v0, v59;
	_ =	sdelay $0x1  }
0x111: {  	v0 =	vmul.f32 v0, v61;
	_ =	sdelay $0x1  }
0x112: {  	v0 =	vadd.f32 v0, v60  }
0x113: {  	vm8 =	vlt.s32 v24, v62  }
0x114: {  	v0 =	vnsel vm8, $0xC479C000, v0  }
0x115: {  	[tilespmem:v57+s5+$0x0] =	vst.idx.msk $0xffff, v0  }
0x116: {  	v0 =	vld.idx.msk [tilespmem:v58+s23+$0x8190 ss:$0x1], $0xffff;
	_ =	sdelay $0x4  }
0x117: {  	v0 =	vsub.f32 v0, v59;
	_ =	sdelay $0x1  }
0x118: {  	v63 =	vor.u32 $0x6400, v28;
	v0 =	vmul.f32 v0, v61;
	_ =	sdelay $0x1  }
0x119: {  	v0 =	vadd.f32 v0, v60  }
0x11a: {  	vm9 =	vlt.s32 v25, v62  }
0x11b: {  	v0 =	vnsel vm9, $0xC479C000, v0  }
0x11c: {  	[tilespmem:v63+s5+$0x0] =	vst.idx.msk $0xffff, v0  }
0x11d: {  	v0 =	vld.idx.msk [tilespmem:v58+s23+$0x81A0 ss:$0x1], $0xffff;
	_ =	sdelay $0x4  }
0x11e: {  	v0 =	vsub.f32 v0, v59;
	_ =	sdelay $0x1  }
0x11f: {  	v63 =	vor.u32 $0x6800, v28;
	v0 =	vmul.f32 v0, v61;
	_ =	sdelay $0x1  }
0x120: {  	v0 =	vadd.f32 v0, v60  }
0x121: {  	vm10 =	vlt.s32 v26, v62  }
0x122: {  	v0 =	vnsel vm10, $0xC479C000, v0  }
0x123: {  	[tilespmem:v63+s5+$0x0] =	vst.idx.msk $0xffff, v0  }
0x124: {  	v0 =	vld.idx.msk [tilespmem:v58+s23+$0x81B0 ss:$0x1], $0xffff;
	_ =	sdelay $0x4  }
0x125: {  	v0 =	vsub.f32 v0, v59;
	_ =	sdelay $0x1  }
0x126: {  	v63 =	vor.u32 $0x6C00, v28;
	v0 =	vmul.f32 v0, v61;
	_ =	sdelay $0x1  }
0x127: {  	v0 =	vadd.f32 v0, v60  }
0x128: {  	vm11 =	vlt.s32 v27, v62  }
0x129: {  	v0 =	vnsel vm11, $0xC479C000, v0  }
0x12a: {  	[tilespmem:v63+s5+$0x0] =	vst.idx.msk $0xffff, v0  }
0x12b: {  	v0 =	vld.idx.msk [tilespmem:v58+s23+$0x81C0 ss:$0x1], $0xffff;
	_ =	sdelay $0x4  }
0x12c: {  	v0 =	vsub.f32 v0, v59;
	_ =	sdelay $0x1  }
0x12d: {  	v63 =	vor.u32 $0x7000, v28;
	v0 =	vmul.f32 v0, v61;
	_ =	sdelay $0x1  }
0x12e: {  	v0 =	vadd.f32 v0, v60  }
0x12f: {  	vm12 =	vlt.s32 v29, v62  }
0x130: {  	v0 =	vnsel vm12, $0xC479C000, v0  }
0x131: {  	[tilespmem:v63+s5+$0x0] =	vst.idx.msk $0xffff, v0  }
0x132: {  	v0 =	vld.idx.msk [tilespmem:v58+s23+$0x81D0 ss:$0x1], $0xffff;
	_ =	sdelay $0x4  }
0x133: {  	v0 =	vsub.f32 v0, v59;
	_ =	sdelay $0x1  }
0x134: {  	v63 =	vor.u32 $0x7400, v28;
	v0 =	vmul.f32 v0, v61;
	_ =	sdelay $0x1  }
0x135: {  	v0 =	vadd.f32 v0, v60  }
0x136: {  	vm13 =	vlt.s32 v30, v62  }
0x137: {  	v0 =	vnsel vm13, $0xC479C000, v0  }
0x138: {  	[tilespmem:v63+s5+$0x0] =	vst.idx.msk $0xffff, v0  }
0x139: {  	v0 =	vld.idx.msk [tilespmem:v58+s23+$0x81E0 ss:$0x1], $0xffff;
	_ =	sdelay $0x4  }
0x13a: {  	v0 =	vsub.f32 v0, v59;
	_ =	sdelay $0x1  }
0x13b: {  	v63 =	vor.u32 $0x7800, v28;
	v0 =	vmul.f32 v0, v61;
	_ =	sdelay $0x1  }
0x13c: {  	v0 =	vadd.f32 v0, v60  }
0x13d: {  	vm14 =	vlt.s32 v31, v62  }
0x13e: {  	v0 =	vnsel vm14, $0xC479C000, v0  }
0x13f: {  	[tilespmem:v63+s5+$0x0] =	vst.idx.msk $0xffff, v0  }
0x140: {  	v0 =	vld.idx.msk [tilespmem:v58+s23+$0x81F0 ss:$0x1], $0xffff;
	_ =	sdelay $0x4  }
0x141: {  	v0 =	vsub.f32 v0, v59;
	_ =	sdelay $0x1  }
0x142: {  	v63 =	vor.u32 $0x7C00, v28;
	v0 =	vmul.f32 v0, v61;
	_ =	sdelay $0x1  }
0x143: {  	v0 =	vadd.f32 v0, v60  }
0x144: {  	s22 =	sadd.s32 $0x1, s22;
	vm15 =	vlt.s32 v32, v62  }
0x145: {  	p0 =	sne.s32 s22, s15;
	v0 =	vnsel vm15, $0xC479C000, v0  }
.Ltmp1:
0x146: {  	[tilespmem:v63+s5+$0x0] =	vst.idx.msk $0xffff, v0;
	(pc) =	sbr.rel @p0 .LBB2_1-.Ltmp1, $4  }
0x147: {  	[hbm4b:s14+s5] =	stream.linear.scatter [tilespmem:s5], [sflag:$0x1], $0x8000, $0x38;
	[tilespmem:$0x8700] =	vst v63  }
0x148: {  	_ =	swait.ge [sflag:s10], $0x8000  }
0x149: {  	[sflag:s10] =	ssyncset.done $0x0  }
0x14a: {  	[sflag:s10] =	ssyncadd.s32 $0xFFFF8000  }
0x14b: {  	_ =	sfence.sel $0x180000  }
0x14c: {  	[bflag:$0x0] =	sbarrier.arrive $0xFFFF  }
0x14d: {  	p0 =	sne.s32 s2, $0x0;
	_ =	strace $0x90000047  }
0x14e: {  	s0 =	sadd.s32 @!p0 $0x100000, s0;
	[bflag:$0x2] =	sbarrier.arrive $0xFFFF  }
0x14f: {  	[sflag:s0] =	ssyncadd.tile.s32 @!p0 $0x1;
	_ =	shalt  }
.Lfunc_end2:
_tile_overlayer_lowered:
.L_overlay_start_2:
0x150: {  	(tag) =	ssettag $0x2  }
0x151: {  	s0 =	rddreg [dreg:$0x0];
	s2 =	stileid.u32  }
0x152: {  	s1 =	rddreg [dreg:$0x1];
	p0 =	sne.s32 s2, $0x0  }
0x153: {  	s3 =	rddreg [dreg:$0x2];
	[bflag:$0x3] =	sbarrier.arrive $0xFFFF;
	s2 =	simm.s32 @!p0 $0x1C02  }
0x154: {  	[timem:s3], [sflag:s2] =	dma.local @!p0 [hbm:s0], s1  }
0x155: {  	s0 =	simm.s32 @!p0 $0x2  }
0x156: {  	_ =	swait.ge @!p0 [sflag:s0], s1  }
0x157: {  	s1 =	ssub.s32 @!p0 $0x0, s1;
	[sflag:s0] =	ssyncset.done @!p0 $0x0  }
0x158: {  	[sflag:s0] =	ssyncadd.s32 @!p0 s1  }
0x159: {  	[bflag:$0x3] =	sbarrier.arrive $0xFFFF  }
0x15a: {  	_ =	shalt  }

</sc_bundles>
